<compile_context>
chip_gen: v7x
topology: tpu7x:2x2x1
jax: 0.10.2.dev20260603
libtpu: 0.0.44.dev20260713+nightly
codegen_flags: <defaults>
</compile_context>

<pallas_src>
import functools

import jax
import jax.numpy as jnp
from jax import lax
from jax.experimental import pallas as pl
from jax.experimental.pallas import tpu as pltpu
from jax.experimental.pallas import tpu_sc as plsc

_NUM_CORES = 2
_NUM_SUBCORES = 16
_NW = _NUM_CORES * _NUM_SUBCORES
_CHUNK = 64


def _gather_kernel(n_chunks, d, table_hbm, idx_hbm, out_hbm, idx_v, rows_v,
                   isems, gsems, ssems):
    wid = lax.axis_index("s") * _NUM_CORES + lax.axis_index("c")
    idx_copies = [
        pltpu.async_copy(idx_hbm.at[wid].at[j], idx_v.at[j], isems.at[j])
        for j in range(n_chunks)
    ]
    gathers = []
    for j in range(n_chunks):
        idx_copies[j].wait()
        gathers.append(
            pltpu.async_copy(table_hbm.at[idx_v.at[j]], rows_v.at[j], gsems.at[j])
        )
    base = wid * (n_chunks * _CHUNK)
    stores = []
    for j in range(n_chunks):
        gathers[j].wait()
        stores.append(
            pltpu.async_copy(
                rows_v.at[j], out_hbm.at[pl.ds(base + j * _CHUNK, _CHUNK)],
                ssems.at[j],
            )
        )
    for s in stores:
        s.wait()


def kernel(time, embeddings):
    b = time.shape[0]
    _, d = embeddings.shape
    assert b % (_NW * _CHUNK) == 0
    n_chunks = b // (_NW * _CHUNK)

    idx = time.reshape(_NW, n_chunks, _CHUNK)
    mesh = plsc.VectorSubcoreMesh(core_axis_name="c", subcore_axis_name="s")
    k = functools.partial(
        pl.kernel,
        mesh=mesh,
        out_type=jax.ShapeDtypeStruct((b, d), jnp.float32),
        scratch_types=[
            pltpu.VMEM((n_chunks, _CHUNK), jnp.int32),
            pltpu.VMEM((n_chunks, _CHUNK, d), jnp.float32),
            pltpu.SemaphoreType.DMA((n_chunks,)),
            pltpu.SemaphoreType.DMA((n_chunks,)),
            pltpu.SemaphoreType.DMA((n_chunks,)),
        ],
    )(functools.partial(_gather_kernel, n_chunks, d))
    return k(embeddings, idx)

# --- scband reference (transcript-rebuilt; emitter-appended) ---
"""Pipeline reference for scband-sinusoidal-position-embeddings-58256936403336 (READ-ONLY COPY).

The authoritative reference and input builder live on the scoring server;
editing this copy changes nothing except your own understanding.
"""

import jax, jax.numpy as jnp
import numpy as np
import math

DIM = 128
TIMESTEPS = 100000
BATCH = 16384


def _build_table(dim, timesteps):
    half_dim = dim // 2
    scale = math.log(10000.0) / (half_dim - 1)
    freqs = jnp.exp(jnp.arange(half_dim, dtype=jnp.float32) * -scale)
    vtime = jnp.arange(timesteps, dtype=jnp.float32)
    ang = vtime[:, None] * freqs[None, :]
    return jnp.concatenate([jnp.sin(ang), jnp.cos(ang)], axis=-1).astype(jnp.float32)


def setup_inputs(seed: int = 0) -> dict:
    key = jax.random.key(seed)
    time = jax.random.randint(key, (BATCH,), 0, TIMESTEPS, dtype=jnp.int32)
    embeddings = _build_table(DIM, TIMESTEPS)
    return {"time": time, "embeddings": embeddings}


def reference(time, embeddings):
    # Faithful translation of: return self.embeddings[time, :]
    return jnp.take(embeddings, time, axis=0)

if __name__ == "__main__":
    import jax
    _d = setup_inputs()
    print(jax.jit(kernel)(*tuple(_d.values())))

</pallas_src>

<mosaic_0001>
#map = affine_map<(d0, d1) -> (0, 0)>
#map1 = affine_map<(d0, d1) -> (0, 0, 0)>
module attributes {stable_mosaic.version = 14 : i64} {
  func.func @_gather_kernel(%arg0: i32, %arg1: i32, %arg2: memref<100000x128xf32, #tpu.memory_space<hbm>>, %arg3: memref<32x8x64xi32, #tpu.memory_space<hbm>>, %arg4: memref<16384x128xf32, #tpu.memory_space<hbm>>, %arg5: memref<8x64xi32, #tpu.memory_space<vmem>>, %arg6: memref<8x64x128xf32, #tpu.memory_space<vmem>>, %arg7: memref<8x!tpu.dma_semaphore, #tpu.memory_space<semaphore_mem>>, %arg8: memref<8x!tpu.dma_semaphore, #tpu.memory_space<semaphore_mem>>, %arg9: memref<8x!tpu.dma_semaphore, #tpu.memory_space<semaphore_mem>>) attributes {dimension_semantics = [#tpu.dimension_semantics<core_parallel>, #tpu.dimension_semantics<subcore_parallel>], iteration_bounds = array<i64: 2, 16>, scalar_prefetch = 0 : i64, scratch_operands = 5 : i64, tpu.core_type = #tpu.core_type<sc_vector_subcore>, window_params = [{transform_indices = #map}, {transform_indices = #map1}, {transform_indices = #map}]} {
    %mul3A = arith.constant 2 : i32
    %mul3A_0 = arith.muli %arg1, %mul3A : i32
    %add3A = arith.addi %mul3A_0, %arg0 : i32
    %dma_start3A = arith.constant 0 : i32
    %dma_start3A_1 = arith.constant 0 : i32
    %dma_start3A_2 = arith.constant 0 : i32
    %dma_start3A_3 = arith.constant 0 : i32
    %dma_start3A_4 = tpu.memref_slice %arg5[%dma_start3A_1, %dma_start3A_3] : memref<8x64xi32, #tpu.memory_space<vmem>> -> memref<1x64xi32, #tpu.memory_space<vmem>>
    %dma_start3A_5 = tpu.memref_squeeze %dma_start3A_4 : memref<1x64xi32, #tpu.memory_space<vmem>> -> memref<64xi32, #tpu.memory_space<vmem>>
    %dma_start3A_6 = arith.constant 0 : i32
    %dma_start3A_7 = arith.constant 0 : i32
    %dma_start3A_8 = tpu.memref_slice %arg3[%add3A, %dma_start3A_6, %dma_start3A_7] : memref<32x8x64xi32, #tpu.memory_space<hbm>> -> memref<1x8x64xi32, #tpu.memory_space<hbm>>
    %dma_start3A_9 = tpu.memref_squeeze %dma_start3A_8 : memref<1x8x64xi32, #tpu.memory_space<hbm>> -> memref<8x64xi32, #tpu.memory_space<hbm>>
    %dma_start3A_10 = arith.constant 0 : i32
    %dma_start3A_11 = tpu.memref_slice %dma_start3A_9[%dma_start3A, %dma_start3A_10] : memref<8x64xi32, #tpu.memory_space<hbm>> -> memref<1x64xi32, #tpu.memory_space<hbm>>
    %dma_start3A_12 = tpu.memref_squeeze %dma_start3A_11 : memref<1x64xi32, #tpu.memory_space<hbm>> -> memref<64xi32, #tpu.memory_space<hbm>>
    %dma_start3A_13 = tpu.memref_slice %arg7[%dma_start3A_2] : memref<8x!tpu.dma_semaphore, #tpu.memory_space<semaphore_mem>> -> memref<1x!tpu.dma_semaphore, #tpu.memory_space<semaphore_mem>>
    %dma_start3A_14 = tpu.memref_squeeze %dma_start3A_13 : memref<1x!tpu.dma_semaphore, #tpu.memory_space<semaphore_mem>> -> memref<!tpu.dma_semaphore, #tpu.memory_space<semaphore_mem>>
    %dma_start3A_15 = arith.constant 0 : i32
    %dma_start3A_16 = tpu.memref_slice %arg5[%dma_start3A_1, %dma_start3A_15] : memref<8x64xi32, #tpu.memory_space<vmem>> -> memref<1x64xi32, #tpu.memory_space<vmem>>
    %dma_start3A_17 = tpu.memref_squeeze %dma_start3A_16 : memref<1x64xi32, #tpu.memory_space<vmem>> -> memref<64xi32, #tpu.memory_space<vmem>>
    %dma_start3A_18 = arith.constant 0 : i32
    %dma_start3A_19 = arith.constant 0 : i32
    %dma_start3A_20 = tpu.memref_slice %arg3[%add3A, %dma_start3A_18, %dma_start3A_19] : memref<32x8x64xi32, #tpu.memory_space<hbm>> -> memref<1x8x64xi32, #tpu.memory_space<hbm>>
    %dma_start3A_21 = tpu.memref_squeeze %dma_start3A_20 : memref<1x8x64xi32, #tpu.memory_space<hbm>> -> memref<8x64xi32, #tpu.memory_space<hbm>>
    %dma_start3A_22 = arith.constant 0 : i32
    %dma_start3A_23 = tpu.memref_slice %dma_start3A_21[%dma_start3A, %dma_start3A_22] : memref<8x64xi32, #tpu.memory_space<hbm>> -> memref<1x64xi32, #tpu.memory_space<hbm>>
    %dma_start3A_24 = tpu.memref_squeeze %dma_start3A_23 : memref<1x64xi32, #tpu.memory_space<hbm>> -> memref<64xi32, #tpu.memory_space<hbm>>
    tpu.enqueue_dma source(%dma_start3A_24 : memref<64xi32, #tpu.memory_space<hbm>>) target(%dma_start3A_17 : memref<64xi32, #tpu.memory_space<vmem>>) target_semaphore(%dma_start3A_14 : memref<!tpu.dma_semaphore, #tpu.memory_space<semaphore_mem>>)
    %dma_start3A_25 = arith.constant 1 : i32
    %dma_start3A_26 = arith.constant 1 : i32
    %dma_start3A_27 = arith.constant 1 : i32
    %dma_start3A_28 = arith.constant 0 : i32
    %dma_start3A_29 = tpu.memref_slice %arg5[%dma_start3A_26, %dma_start3A_28] : memref<8x64xi32, #tpu.memory_space<vmem>> -> memref<1x64xi32, #tpu.memory_space<vmem>>
    %dma_start3A_30 = tpu.memref_squeeze %dma_start3A_29 : memref<1x64xi32, #tpu.memory_space<vmem>> -> memref<64xi32, #tpu.memory_space<vmem>>
    %dma_start3A_31 = arith.constant 0 : i32
    %dma_start3A_32 = arith.constant 0 : i32
    %dma_start3A_33 = tpu.memref_slice %arg3[%add3A, %dma_start3A_31, %dma_start3A_32] : memref<32x8x64xi32, #tpu.memory_space<hbm>> -> memref<1x8x64xi32, #tpu.memory_space<hbm>>
    %dma_start3A_34 = tpu.memref_squeeze %dma_start3A_33 : memref<1x8x64xi32, #tpu.memory_space<hbm>> -> memref<8x64xi32, #tpu.memory_space<hbm>>
    %dma_start3A_35 = arith.constant 0 : i32
    %dma_start3A_36 = tpu.memref_slice %dma_start3A_34[%dma_start3A_25, %dma_start3A_35] : memref<8x64xi32, #tpu.memory_space<hbm>> -> memref<1x64xi32, #tpu.memory_space<hbm>>
    %dma_start3A_37 = tpu.memref_squeeze %dma_start3A_36 : memref<1x64xi32, #tpu.memory_space<hbm>> -> memref<64xi32, #tpu.memory_space<hbm>>
    %dma_start3A_38 = tpu.memref_slice %arg7[%dma_start3A_27] : memref<8x!tpu.dma_semaphore, #tpu.memory_space<semaphore_mem>> -> memref<1x!tpu.dma_semaphore, #tpu.memory_space<semaphore_mem>>
    %dma_start3A_39 = tpu.memref_squeeze %dma_start3A_38 : memref<1x!tpu.dma_semaphore, #tpu.memory_space<semaphore_mem>> -> memref<!tpu.dma_semaphore, #tpu.memory_space<semaphore_mem>>
    %dma_start3A_40 = arith.constant 0 : i32
    %dma_start3A_41 = tpu.memref_slice %arg5[%dma_start3A_26, %dma_start3A_40] : memref<8x64xi32, #tpu.memory_space<vmem>> -> memref<1x64xi32, #tpu.memory_space<vmem>>
    %dma_start3A_42 = tpu.memref_squeeze %dma_start3A_41 : memref<1x64xi32, #tpu.memory_space<vmem>> -> memref<64xi32, #tpu.memory_space<vmem>>
    %dma_start3A_43 = arith.constant 0 : i32
    %dma_start3A_44 = arith.constant 0 : i32
    %dma_start3A_45 = tpu.memref_slice %arg3[%add3A, %dma_start3A_43, %dma_start3A_44] : memref<32x8x64xi32, #tpu.memory_space<hbm>> -> memref<1x8x64xi32, #tpu.memory_space<hbm>>
    %dma_start3A_46 = tpu.memref_squeeze %dma_start3A_45 : memref<1x8x64xi32, #tpu.memory_space<hbm>> -> memref<8x64xi32, #tpu.memory_space<hbm>>
    %dma_start3A_47 = arith.constant 0 : i32
    %dma_start3A_48 = tpu.memref_slice %dma_start3A_46[%dma_start3A_25, %dma_start3A_47] : memref<8x64xi32, #tpu.memory_space<hbm>> -> memref<1x64xi32, #tpu.memory_space<hbm>>
    %dma_start3A_49 = tpu.memref_squeeze %dma_start3A_48 : memref<1x64xi32, #tpu.memory_space<hbm>> -> memref<64xi32, #tpu.memory_space<hbm>>
    tpu.enqueue_dma source(%dma_start3A_49 : memref<64xi32, #tpu.memory_space<hbm>>) target(%dma_start3A_42 : memref<64xi32, #tpu.memory_space<vmem>>) target_semaphore(%dma_start3A_39 : memref<!tpu.dma_semaphore, #tpu.memory_space<semaphore_mem>>)
    %dma_start3A_50 = arith.constant 2 : i32
    %dma_start3A_51 = arith.constant 2 : i32
    %dma_start3A_52 = arith.constant 2 : i32
    %dma_start3A_53 = arith.constant 0 : i32
    %dma_start3A_54 = tpu.memref_slice %arg5[%dma_start3A_51, %dma_start3A_53] : memref<8x64xi32, #tpu.memory_space<vmem>> -> memref<1x64xi32, #tpu.memory_space<vmem>>
    %dma_start3A_55 = tpu.memref_squeeze %dma_start3A_54 : memref<1x64xi32, #tpu.memory_space<vmem>> -> memref<64xi32, #tpu.memory_space<vmem>>
    %dma_start3A_56 = arith.constant 0 : i32
    %dma_start3A_57 = arith.constant 0 : i32
    %dma_start3A_58 = tpu.memref_slice %arg3[%add3A, %dma_start3A_56, %dma_start3A_57] : memref<32x8x64xi32, #tpu.memory_space<hbm>> -> memref<1x8x64xi32, #tpu.memory_space<hbm>>
    %dma_start3A_59 = tpu.memref_squeeze %dma_start3A_58 : memref<1x8x64xi32, #tpu.memory_space<hbm>> -> memref<8x64xi32, #tpu.memory_space<hbm>>
    %dma_start3A_60 = arith.constant 0 : i32
    %dma_start3A_61 = tpu.memref_slice %dma_start3A_59[%dma_start3A_50, %dma_start3A_60] : memref<8x64xi32, #tpu.memory_space<hbm>> -> memref<1x64xi32, #tpu.memory_space<hbm>>
    %dma_start3A_62 = tpu.memref_squeeze %dma_start3A_61 : memref<1x64xi32, #tpu.memory_space<hbm>> -> memref<64xi32, #tpu.memory_space<hbm>>
    %dma_start3A_63 = tpu.memref_slice %arg7[%dma_start3A_52] : memref<8x!tpu.dma_semaphore, #tpu.memory_space<semaphore_mem>> -> memref<1x!tpu.dma_semaphore, #tpu.memory_space<semaphore_mem>>
    %dma_start3A_64 = tpu.memref_squeeze %dma_start3A_63 : memref<1x!tpu.dma_semaphore, #tpu.memory_space<semaphore_mem>> -> memref<!tpu.dma_semaphore, #tpu.memory_space<semaphore_mem>>
    %dma_start3A_65 = arith.constant 0 : i32
    %dma_start3A_66 = tpu.memref_slice %arg5[%dma_start3A_51, %dma_start3A_65] : memref<8x64xi32, #tpu.memory_space<vmem>> -> memref<1x64xi32, #tpu.memory_space<vmem>>
    %dma_start3A_67 = tpu.memref_squeeze %dma_start3A_66 : memref<1x64xi32, #tpu.memory_space<vmem>> -> memref<64xi32, #tpu.memory_space<vmem>>
    %dma_start3A_68 = arith.constant 0 : i32
    %dma_start3A_69 = arith.constant 0 : i32
    %dma_start3A_70 = tpu.memref_slice %arg3[%add3A, %dma_start3A_68, %dma_start3A_69] : memref<32x8x64xi32, #tpu.memory_space<hbm>> -> memref<1x8x64xi32, #tpu.memory_space<hbm>>
    %dma_start3A_71 = tpu.memref_squeeze %dma_start3A_70 : memref<1x8x64xi32, #tpu.memory_space<hbm>> -> memref<8x64xi32, #tpu.memory_space<hbm>>
    %dma_start3A_72 = arith.constant 0 : i32
    %dma_start3A_73 = tpu.memref_slice %dma_start3A_71[%dma_start3A_50, %dma_start3A_72] : memref<8x64xi32, #tpu.memory_space<hbm>> -> memref<1x64xi32, #tpu.memory_space<hbm>>
    %dma_start3A_74 = tpu.memref_squeeze %dma_start3A_73 : memref<1x64xi32, #tpu.memory_space<hbm>> -> memref<64xi32, #tpu.memory_space<hbm>>
    tpu.enqueue_dma source(%dma_start3A_74 : memref<64xi32, #tpu.memory_space<hbm>>) target(%dma_start3A_67 : memref<64xi32, #tpu.memory_space<vmem>>) target_semaphore(%dma_start3A_64 : memref<!tpu.dma_semaphore, #tpu.memory_space<semaphore_mem>>)
    %dma_start3A_75 = arith.constant 3 : i32
    %dma_start3A_76 = arith.constant 3 : i32
    %dma_start3A_77 = arith.constant 3 : i32
    %dma_start3A_78 = arith.constant 0 : i32
    %dma_start3A_79 = tpu.memref_slice %arg5[%dma_start3A_76, %dma_start3A_78] : memref<8x64xi32, #tpu.memory_space<vmem>> -> memref<1x64xi32, #tpu.memory_space<vmem>>
    %dma_start3A_80 = tpu.memref_squeeze %dma_start3A_79 : memref<1x64xi32, #tpu.memory_space<vmem>> -> memref<64xi32, #tpu.memory_space<vmem>>
    %dma_start3A_81 = arith.constant 0 : i32
    %dma_start3A_82 = arith.constant 0 : i32
    %dma_start3A_83 = tpu.memref_slice %arg3[%add3A, %dma_start3A_81, %dma_start3A_82] : memref<32x8x64xi32, #tpu.memory_space<hbm>> -> memref<1x8x64xi32, #tpu.memory_space<hbm>>
    %dma_start3A_84 = tpu.memref_squeeze %dma_start3A_83 : memref<1x8x64xi32, #tpu.memory_space<hbm>> -> memref<8x64xi32, #tpu.memory_space<hbm>>
    %dma_start3A_85 = arith.constant 0 : i32
    %dma_start3A_86 = tpu.memref_slice %dma_start3A_84[%dma_start3A_75, %dma_start3A_85] : memref<8x64xi32, #tpu.memory_space<hbm>> -> memref<1x64xi32, #tpu.memory_space<hbm>>
    %dma_start3A_87 = tpu.memref_squeeze %dma_start3A_86 : memref<1x64xi32, #tpu.memory_space<hbm>> -> memref<64xi32, #tpu.memory_space<hbm>>
    %dma_start3A_88 = tpu.memref_slice %arg7[%dma_start3A_77] : memref<8x!tpu.dma_semaphore, #tpu.memory_space<semaphore_mem>> -> memref<1x!tpu.dma_semaphore, #tpu.memory_space<semaphore_mem>>
    %dma_start3A_89 = tpu.memref_squeeze %dma_start3A_88 : memref<1x!tpu.dma_semaphore, #tpu.memory_space<semaphore_mem>> -> memref<!tpu.dma_semaphore, #tpu.memory_space<semaphore_mem>>
    %dma_start3A_90 = arith.constant 0 : i32
    %dma_start3A_91 = tpu.memref_slice %arg5[%dma_start3A_76, %dma_start3A_90] : memref<8x64xi32, #tpu.memory_space<vmem>> -> memref<1x64xi32, #tpu.memory_space<vmem>>
    %dma_start3A_92 = tpu.memref_squeeze %dma_start3A_91 : memref<1x64xi32, #tpu.memory_space<vmem>> -> memref<64xi32, #tpu.memory_space<vmem>>
    %dma_start3A_93 = arith.constant 0 : i32
    %dma_start3A_94 = arith.constant 0 : i32
    %dma_start3A_95 = tpu.memref_slice %arg3[%add3A, %dma_start3A_93, %dma_start3A_94] : memref<32x8x64xi32, #tpu.memory_space<hbm>> -> memref<1x8x64xi32, #tpu.memory_space<hbm>>
    %dma_start3A_96 = tpu.memref_squeeze %dma_start3A_95 : memref<1x8x64xi32, #tpu.memory_space<hbm>> -> memref<8x64xi32, #tpu.memory_space<hbm>>
    %dma_start3A_97 = arith.constant 0 : i32
    %dma_start3A_98 = tpu.memref_slice %dma_start3A_96[%dma_start3A_75, %dma_start3A_97] : memref<8x64xi32, #tpu.memory_space<hbm>> -> memref<1x64xi32, #tpu.memory_space<hbm>>
    %dma_start3A_99 = tpu.memref_squeeze %dma_start3A_98 : memref<1x64xi32, #tpu.memory_space<hbm>> -> memref<64xi32, #tpu.memory_space<hbm>>
    tpu.enqueue_dma source(%dma_start3A_99 : memref<64xi32, #tpu.memory_space<hbm>>) target(%dma_start3A_92 : memref<64xi32, #tpu.memory_space<vmem>>) target_semaphore(%dma_start3A_89 : memref<!tpu.dma_semaphore, #tpu.memory_space<semaphore_mem>>)
    %dma_start3A_100 = arith.constant 4 : i32
    %dma_start3A_101 = arith.constant 4 : i32
    %dma_start3A_102 = arith.constant 4 : i32
    %dma_start3A_103 = arith.constant 0 : i32
    %dma_start3A_104 = tpu.memref_slice %arg5[%dma_start3A_101, %dma_start3A_103] : memref<8x64xi32, #tpu.memory_space<vmem>> -> memref<1x64xi32, #tpu.memory_space<vmem>>
    %dma_start3A_105 = tpu.memref_squeeze %dma_start3A_104 : memref<1x64xi32, #tpu.memory_space<vmem>> -> memref<64xi32, #tpu.memory_space<vmem>>
    %dma_start3A_106 = arith.constant 0 : i32
    %dma_start3A_107 = arith.constant 0 : i32
    %dma_start3A_108 = tpu.memref_slice %arg3[%add3A, %dma_start3A_106, %dma_start3A_107] : memref<32x8x64xi32, #tpu.memory_space<hbm>> -> memref<1x8x64xi32, #tpu.memory_space<hbm>>
    %dma_start3A_109 = tpu.memref_squeeze %dma_start3A_108 : memref<1x8x64xi32, #tpu.memory_space<hbm>> -> memref<8x64xi32, #tpu.memory_space<hbm>>
    %dma_start3A_110 = arith.constant 0 : i32
    %dma_start3A_111 = tpu.memref_slice %dma_start3A_109[%dma_start3A_100, %dma_start3A_110] : memref<8x64xi32, #tpu.memory_space<hbm>> -> memref<1x64xi32, #tpu.memory_space<hbm>>
    %dma_start3A_112 = tpu.memref_squeeze %dma_start3A_111 : memref<1x64xi32, #tpu.memory_space<hbm>> -> memref<64xi32, #tpu.memory_space<hbm>>
    %dma_start3A_113 = tpu.memref_slice %arg7[%dma_start3A_102] : memref<8x!tpu.dma_semaphore, #tpu.memory_space<semaphore_mem>> -> memref<1x!tpu.dma_semaphore, #tpu.memory_space<semaphore_mem>>
    %dma_start3A_114 = tpu.memref_squeeze %dma_start3A_113 : memref<1x!tpu.dma_semaphore, #tpu.memory_space<semaphore_mem>> -> memref<!tpu.dma_semaphore, #tpu.memory_space<semaphore_mem>>
    %dma_start3A_115 = arith.constant 0 : i32
    %dma_start3A_116 = tpu.memref_slice %arg5[%dma_start3A_101, %dma_start3A_115] : memref<8x64xi32, #tpu.memory_space<vmem>> -> memref<1x64xi32, #tpu.memory_space<vmem>>
    %dma_start3A_117 = tpu.memref_squeeze %dma_start3A_116 : memref<1x64xi32, #tpu.memory_space<vmem>> -> memref<64xi32, #tpu.memory_space<vmem>>
    %dma_start3A_118 = arith.constant 0 : i32
    %dma_start3A_119 = arith.constant 0 : i32
    %dma_start3A_120 = tpu.memref_slice %arg3[%add3A, %dma_start3A_118, %dma_start3A_119] : memref<32x8x64xi32, #tpu.memory_space<hbm>> -> memref<1x8x64xi32, #tpu.memory_space<hbm>>
    %dma_start3A_121 = tpu.memref_squeeze %dma_start3A_120 : memref<1x8x64xi32, #tpu.memory_space<hbm>> -> memref<8x64xi32, #tpu.memory_space<hbm>>
    %dma_start3A_122 = arith.constant 0 : i32
    %dma_start3A_123 = tpu.memref_slice %dma_start3A_121[%dma_start3A_100, %dma_start3A_122] : memref<8x64xi32, #tpu.memory_space<hbm>> -> memref<1x64xi32, #tpu.memory_space<hbm>>
    %dma_start3A_124 = tpu.memref_squeeze %dma_start3A_123 : memref<1x64xi32, #tpu.memory_space<hbm>> -> memref<64xi32, #tpu.memory_space<hbm>>
    tpu.enqueue_dma source(%dma_start3A_124 : memref<64xi32, #tpu.memory_space<hbm>>) target(%dma_start3A_117 : memref<64xi32, #tpu.memory_space<vmem>>) target_semaphore(%dma_start3A_114 : memref<!tpu.dma_semaphore, #tpu.memory_space<semaphore_mem>>)
    %dma_start3A_125 = arith.constant 5 : i32
    %dma_start3A_126 = arith.constant 5 : i32
    %dma_start3A_127 = arith.constant 5 : i32
    %dma_start3A_128 = arith.constant 0 : i32
    %dma_start3A_129 = tpu.memref_slice %arg5[%dma_start3A_126, %dma_start3A_128] : memref<8x64xi32, #tpu.memory_space<vmem>> -> memref<1x64xi32, #tpu.memory_space<vmem>>
    %dma_start3A_130 = tpu.memref_squeeze %dma_start3A_129 : memref<1x64xi32, #tpu.memory_space<vmem>> -> memref<64xi32, #tpu.memory_space<vmem>>
    %dma_start3A_131 = arith.constant 0 : i32
    %dma_start3A_132 = arith.constant 0 : i32
    %dma_start3A_133 = tpu.memref_slice %arg3[%add3A, %dma_start3A_131, %dma_start3A_132] : memref<32x8x64xi32, #tpu.memory_space<hbm>> -> memref<1x8x64xi32, #tpu.memory_space<hbm>>
    %dma_start3A_134 = tpu.memref_squeeze %dma_start3A_133 : memref<1x8x64xi32, #tpu.memory_space<hbm>> -> memref<8x64xi32, #tpu.memory_space<hbm>>
    %dma_start3A_135 = arith.constant 0 : i32
    %dma_start3A_136 = tpu.memref_slice %dma_start3A_134[%dma_start3A_125, %dma_start3A_135] : memref<8x64xi32, #tpu.memory_space<hbm>> -> memref<1x64xi32, #tpu.memory_space<hbm>>
    %dma_start3A_137 = tpu.memref_squeeze %dma_start3A_136 : memref<1x64xi32, #tpu.memory_space<hbm>> -> memref<64xi32, #tpu.memory_space<hbm>>
    %dma_start3A_138 = tpu.memref_slice %arg7[%dma_start3A_127] : memref<8x!tpu.dma_semaphore, #tpu.memory_space<semaphore_mem>> -> memref<1x!tpu.dma_semaphore, #tpu.memory_space<semaphore_mem>>
    %dma_start3A_139 = tpu.memref_squeeze %dma_start3A_138 : memref<1x!tpu.dma_semaphore, #tpu.memory_space<semaphore_mem>> -> memref<!tpu.dma_semaphore, #tpu.memory_space<semaphore_mem>>
    %dma_start3A_140 = arith.constant 0 : i32
    %dma_start3A_141 = tpu.memref_slice %arg5[%dma_start3A_126, %dma_start3A_140] : memref<8x64xi32, #tpu.memory_space<vmem>> -> memref<1x64xi32, #tpu.memory_space<vmem>>
    %dma_start3A_142 = tpu.memref_squeeze %dma_start3A_141 : memref<1x64xi32, #tpu.memory_space<vmem>> -> memref<64xi32, #tpu.memory_space<vmem>>
    %dma_start3A_143 = arith.constant 0 : i32
    %dma_start3A_144 = arith.constant 0 : i32
    %dma_start3A_145 = tpu.memref_slice %arg3[%add3A, %dma_start3A_143, %dma_start3A_144] : memref<32x8x64xi32, #tpu.memory_space<hbm>> -> memref<1x8x64xi32, #tpu.memory_space<hbm>>
    %dma_start3A_146 = tpu.memref_squeeze %dma_start3A_145 : memref<1x8x64xi32, #tpu.memory_space<hbm>> -> memref<8x64xi32, #tpu.memory_space<hbm>>
    %dma_start3A_147 = arith.constant 0 : i32
    %dma_start3A_148 = tpu.memref_slice %dma_start3A_146[%dma_start3A_125, %dma_start3A_147] : memref<8x64xi32, #tpu.memory_space<hbm>> -> memref<1x64xi32, #tpu.memory_space<hbm>>
    %dma_start3A_149 = tpu.memref_squeeze %dma_start3A_148 : memref<1x64xi32, #tpu.memory_space<hbm>> -> memref<64xi32, #tpu.memory_space<hbm>>
    tpu.enqueue_dma source(%dma_start3A_149 : memref<64xi32, #tpu.memory_space<hbm>>) target(%dma_start3A_142 : memref<64xi32, #tpu.memory_space<vmem>>) target_semaphore(%dma_start3A_139 : memref<!tpu.dma_semaphore, #tpu.memory_space<semaphore_mem>>)
    %dma_start3A_150 = arith.constant 6 : i32
    %dma_start3A_151 = arith.constant 6 : i32
    %dma_start3A_152 = arith.constant 6 : i32
    %dma_start3A_153 = arith.constant 0 : i32
    %dma_start3A_154 = tpu.memref_slice %arg5[%dma_start3A_151, %dma_start3A_153] : memref<8x64xi32, #tpu.memory_space<vmem>> -> memref<1x64xi32, #tpu.memory_space<vmem>>
    %dma_start3A_155 = tpu.memref_squeeze %dma_start3A_154 : memref<1x64xi32, #tpu.memory_space<vmem>> -> memref<64xi32, #tpu.memory_space<vmem>>
    %dma_start3A_156 = arith.constant 0 : i32
    %dma_start3A_157 = arith.constant 0 : i32
    %dma_start3A_158 = tpu.memref_slice %arg3[%add3A, %dma_start3A_156, %dma_start3A_157] : memref<32x8x64xi32, #tpu.memory_space<hbm>> -> memref<1x8x64xi32, #tpu.memory_space<hbm>>
    %dma_start3A_159 = tpu.memref_squeeze %dma_start3A_158 : memref<1x8x64xi32, #tpu.memory_space<hbm>> -> memref<8x64xi32, #tpu.memory_space<hbm>>
    %dma_start3A_160 = arith.constant 0 : i32
    %dma_start3A_161 = tpu.memref_slice %dma_start3A_159[%dma_start3A_150, %dma_start3A_160] : memref<8x64xi32, #tpu.memory_space<hbm>> -> memref<1x64xi32, #tpu.memory_space<hbm>>
    %dma_start3A_162 = tpu.memref_squeeze %dma_start3A_161 : memref<1x64xi32, #tpu.memory_space<hbm>> -> memref<64xi32, #tpu.memory_space<hbm>>
    %dma_start3A_163 = tpu.memref_slice %arg7[%dma_start3A_152] : memref<8x!tpu.dma_semaphore, #tpu.memory_space<semaphore_mem>> -> memref<1x!tpu.dma_semaphore, #tpu.memory_space<semaphore_mem>>
    %dma_start3A_164 = tpu.memref_squeeze %dma_start3A_163 : memref<1x!tpu.dma_semaphore, #tpu.memory_space<semaphore_mem>> -> memref<!tpu.dma_semaphore, #tpu.memory_space<semaphore_mem>>
    %dma_start3A_165 = arith.constant 0 : i32
    %dma_start3A_166 = tpu.memref_slice %arg5[%dma_start3A_151, %dma_start3A_165] : memref<8x64xi32, #tpu.memory_space<vmem>> -> memref<1x64xi32, #tpu.memory_space<vmem>>
    %dma_start3A_167 = tpu.memref_squeeze %dma_start3A_166 : memref<1x64xi32, #tpu.memory_space<vmem>> -> memref<64xi32, #tpu.memory_space<vmem>>
    %dma_start3A_168 = arith.constant 0 : i32
    %dma_start3A_169 = arith.constant 0 : i32
    %dma_start3A_170 = tpu.memref_slice %arg3[%add3A, %dma_start3A_168, %dma_start3A_169] : memref<32x8x64xi32, #tpu.memory_space<hbm>> -> memref<1x8x64xi32, #tpu.memory_space<hbm>>
    %dma_start3A_171 = tpu.memref_squeeze %dma_start3A_170 : memref<1x8x64xi32, #tpu.memory_space<hbm>> -> memref<8x64xi32, #tpu.memory_space<hbm>>
    %dma_start3A_172 = arith.constant 0 : i32
    %dma_start3A_173 = tpu.memref_slice %dma_start3A_171[%dma_start3A_150, %dma_start3A_172] : memref<8x64xi32, #tpu.memory_space<hbm>> -> memref<1x64xi32, #tpu.memory_space<hbm>>
    %dma_start3A_174 = tpu.memref_squeeze %dma_start3A_173 : memref<1x64xi32, #tpu.memory_space<hbm>> -> memref<64xi32, #tpu.memory_space<hbm>>
    tpu.enqueue_dma source(%dma_start3A_174 : memref<64xi32, #tpu.memory_space<hbm>>) target(%dma_start3A_167 : memref<64xi32, #tpu.memory_space<vmem>>) target_semaphore(%dma_start3A_164 : memref<!tpu.dma_semaphore, #tpu.memory_space<semaphore_mem>>)
    %dma_start3A_175 = arith.constant 7 : i32
    %dma_start3A_176 = arith.constant 7 : i32
    %dma_start3A_177 = arith.constant 7 : i32
    %dma_start3A_178 = arith.constant 0 : i32
    %dma_start3A_179 = tpu.memref_slice %arg5[%dma_start3A_176, %dma_start3A_178] : memref<8x64xi32, #tpu.memory_space<vmem>> -> memref<1x64xi32, #tpu.memory_space<vmem>>
    %dma_start3A_180 = tpu.memref_squeeze %dma_start3A_179 : memref<1x64xi32, #tpu.memory_space<vmem>> -> memref<64xi32, #tpu.memory_space<vmem>>
    %dma_start3A_181 = arith.constant 0 : i32
    %dma_start3A_182 = arith.constant 0 : i32
    %dma_start3A_183 = tpu.memref_slice %arg3[%add3A, %dma_start3A_181, %dma_start3A_182] : memref<32x8x64xi32, #tpu.memory_space<hbm>> -> memref<1x8x64xi32, #tpu.memory_space<hbm>>
    %dma_start3A_184 = tpu.memref_squeeze %dma_start3A_183 : memref<1x8x64xi32, #tpu.memory_space<hbm>> -> memref<8x64xi32, #tpu.memory_space<hbm>>
    %dma_start3A_185 = arith.constant 0 : i32
    %dma_start3A_186 = tpu.memref_slice %dma_start3A_184[%dma_start3A_175, %dma_start3A_185] : memref<8x64xi32, #tpu.memory_space<hbm>> -> memref<1x64xi32, #tpu.memory_space<hbm>>
    %dma_start3A_187 = tpu.memref_squeeze %dma_start3A_186 : memref<1x64xi32, #tpu.memory_space<hbm>> -> memref<64xi32, #tpu.memory_space<hbm>>
    %dma_start3A_188 = tpu.memref_slice %arg7[%dma_start3A_177] : memref<8x!tpu.dma_semaphore, #tpu.memory_space<semaphore_mem>> -> memref<1x!tpu.dma_semaphore, #tpu.memory_space<semaphore_mem>>
    %dma_start3A_189 = tpu.memref_squeeze %dma_start3A_188 : memref<1x!tpu.dma_semaphore, #tpu.memory_space<semaphore_mem>> -> memref<!tpu.dma_semaphore, #tpu.memory_space<semaphore_mem>>
    %dma_start3A_190 = arith.constant 0 : i32
    %dma_start3A_191 = tpu.memref_slice %arg5[%dma_start3A_176, %dma_start3A_190] : memref<8x64xi32, #tpu.memory_space<vmem>> -> memref<1x64xi32, #tpu.memory_space<vmem>>
    %dma_start3A_192 = tpu.memref_squeeze %dma_start3A_191 : memref<1x64xi32, #tpu.memory_space<vmem>> -> memref<64xi32, #tpu.memory_space<vmem>>
    %dma_start3A_193 = arith.constant 0 : i32
    %dma_start3A_194 = arith.constant 0 : i32
    %dma_start3A_195 = tpu.memref_slice %arg3[%add3A, %dma_start3A_193, %dma_start3A_194] : memref<32x8x64xi32, #tpu.memory_space<hbm>> -> memref<1x8x64xi32, #tpu.memory_space<hbm>>
    %dma_start3A_196 = tpu.memref_squeeze %dma_start3A_195 : memref<1x8x64xi32, #tpu.memory_space<hbm>> -> memref<8x64xi32, #tpu.memory_space<hbm>>
    %dma_start3A_197 = arith.constant 0 : i32
    %dma_start3A_198 = tpu.memref_slice %dma_start3A_196[%dma_start3A_175, %dma_start3A_197] : memref<8x64xi32, #tpu.memory_space<hbm>> -> memref<1x64xi32, #tpu.memory_space<hbm>>
    %dma_start3A_199 = tpu.memref_squeeze %dma_start3A_198 : memref<1x64xi32, #tpu.memory_space<hbm>> -> memref<64xi32, #tpu.memory_space<hbm>>
    tpu.enqueue_dma source(%dma_start3A_199 : memref<64xi32, #tpu.memory_space<hbm>>) target(%dma_start3A_192 : memref<64xi32, #tpu.memory_space<vmem>>) target_semaphore(%dma_start3A_189 : memref<!tpu.dma_semaphore, #tpu.memory_space<semaphore_mem>>)
    %dma_wait3A = arith.constant 0 : i32
    %dma_wait3A_200 = arith.constant 0 : i32
    %dma_wait3A_201 = arith.constant 0 : i32
    %dma_wait3A_202 = arith.constant 0 : i32
    %dma_wait3A_203 = tpu.memref_slice %arg5[%dma_wait3A_200, %dma_wait3A_202] : memref<8x64xi32, #tpu.memory_space<vmem>> -> memref<1x64xi32, #tpu.memory_space<vmem>>
    %dma_wait3A_204 = tpu.memref_squeeze %dma_wait3A_203 : memref<1x64xi32, #tpu.memory_space<vmem>> -> memref<64xi32, #tpu.memory_space<vmem>>
    %dma_wait3A_205 = arith.constant 0 : i32
    %dma_wait3A_206 = arith.constant 0 : i32
    %dma_wait3A_207 = tpu.memref_slice %arg3[%add3A, %dma_wait3A_205, %dma_wait3A_206] : memref<32x8x64xi32, #tpu.memory_space<hbm>> -> memref<1x8x64xi32, #tpu.memory_space<hbm>>
    %dma_wait3A_208 = tpu.memref_squeeze %dma_wait3A_207 : memref<1x8x64xi32, #tpu.memory_space<hbm>> -> memref<8x64xi32, #tpu.memory_space<hbm>>
    %dma_wait3A_209 = arith.constant 0 : i32
    %dma_wait3A_210 = tpu.memref_slice %dma_wait3A_208[%dma_wait3A, %dma_wait3A_209] : memref<8x64xi32, #tpu.memory_space<hbm>> -> memref<1x64xi32, #tpu.memory_space<hbm>>
    %dma_wait3A_211 = tpu.memref_squeeze %dma_wait3A_210 : memref<1x64xi32, #tpu.memory_space<hbm>> -> memref<64xi32, #tpu.memory_space<hbm>>
    %dma_wait3A_212 = tpu.memref_slice %arg7[%dma_wait3A_201] : memref<8x!tpu.dma_semaphore, #tpu.memory_space<semaphore_mem>> -> memref<1x!tpu.dma_semaphore, #tpu.memory_space<semaphore_mem>>
    %dma_wait3A_213 = tpu.memref_squeeze %dma_wait3A_212 : memref<1x!tpu.dma_semaphore, #tpu.memory_space<semaphore_mem>> -> memref<!tpu.dma_semaphore, #tpu.memory_space<semaphore_mem>>
    %dma_wait3A_214 = arith.constant 0 : i32
    %dma_wait3A_215 = tpu.memref_slice %arg5[%dma_wait3A_200, %dma_wait3A_214] : memref<8x64xi32, #tpu.memory_space<vmem>> -> memref<1x64xi32, #tpu.memory_space<vmem>>
    %dma_wait3A_216 = tpu.memref_squeeze %dma_wait3A_215 : memref<1x64xi32, #tpu.memory_space<vmem>> -> memref<64xi32, #tpu.memory_space<vmem>>
    %dma_wait3A_217 = arith.constant 0 : i32
    %dma_wait3A_218 = arith.constant 0 : i32
    %dma_wait3A_219 = tpu.memref_slice %arg3[%add3A, %dma_wait3A_217, %dma_wait3A_218] : memref<32x8x64xi32, #tpu.memory_space<hbm>> -> memref<1x8x64xi32, #tpu.memory_space<hbm>>
    %dma_wait3A_220 = tpu.memref_squeeze %dma_wait3A_219 : memref<1x8x64xi32, #tpu.memory_space<hbm>> -> memref<8x64xi32, #tpu.memory_space<hbm>>
    %dma_wait3A_221 = arith.constant 0 : i32
    %dma_wait3A_222 = tpu.memref_slice %dma_wait3A_220[%dma_wait3A, %dma_wait3A_221] : memref<8x64xi32, #tpu.memory_space<hbm>> -> memref<1x64xi32, #tpu.memory_space<hbm>>
    %dma_wait3A_223 = tpu.memref_squeeze %dma_wait3A_222 : memref<1x64xi32, #tpu.memory_space<hbm>> -> memref<64xi32, #tpu.memory_space<hbm>>
    tpu.wait_dma2 semaphore(%dma_wait3A_213 : memref<!tpu.dma_semaphore, #tpu.memory_space<semaphore_mem>>) src(%dma_wait3A_223 : memref<64xi32, #tpu.memory_space<hbm>>) dst(%dma_wait3A_216 : memref<64xi32, #tpu.memory_space<vmem>>)
    %dma_start3A_224 = arith.constant 0 : i32
    %dma_start3A_225 = arith.constant 0 : i32
    %dma_start3A_226 = arith.constant 0 : i32
    %dma_start3A_227 = arith.constant 0 : i32
    %dma_start3A_228 = arith.constant 0 : i32
    %dma_start3A_229 = tpu.memref_slice %arg6[%dma_start3A_225, %dma_start3A_227, %dma_start3A_228] : memref<8x64x128xf32, #tpu.memory_space<vmem>> -> memref<1x64x128xf32, #tpu.memory_space<vmem>>
    %dma_start3A_230 = tpu.memref_squeeze %dma_start3A_229 : memref<1x64x128xf32, #tpu.memory_space<vmem>> -> memref<64x128xf32, #tpu.memory_space<vmem>>
    %dma_start3A_231 = arith.constant 0 : i32
    %dma_start3A_232 = tpu.memref_slice %arg5[%dma_start3A_224, %dma_start3A_231] : memref<8x64xi32, #tpu.memory_space<vmem>> -> memref<1x64xi32, #tpu.memory_space<vmem>>
    %dma_start3A_233 = tpu.memref_squeeze %dma_start3A_232 : memref<1x64xi32, #tpu.memory_space<vmem>> -> memref<64xi32, #tpu.memory_space<vmem>>
    %dma_start3A_234 = arith.constant 0 : i32
    %dma_start3A_235 = arith.constant 0 : i32
    %dma_start3A_236 = tpu.memref_slice %arg2[%dma_start3A_234, %dma_start3A_235] : memref<100000x128xf32, #tpu.memory_space<hbm>> -> memref<100000x128xf32, #tpu.memory_space<hbm>>
    %dma_start3A_237 = tpu.memref_slice %arg8[%dma_start3A_226] : memref<8x!tpu.dma_semaphore, #tpu.memory_space<semaphore_mem>> -> memref<1x!tpu.dma_semaphore, #tpu.memory_space<semaphore_mem>>
    %dma_start3A_238 = tpu.memref_squeeze %dma_start3A_237 : memref<1x!tpu.dma_semaphore, #tpu.memory_space<semaphore_mem>> -> memref<!tpu.dma_semaphore, #tpu.memory_space<semaphore_mem>>
    tpu.enqueue_indirect_dma source(%dma_start3A_236 : memref<100000x128xf32, #tpu.memory_space<hbm>>) target(%dma_start3A_230 : memref<64x128xf32, #tpu.memory_space<vmem>>) offsets(%dma_start3A_233 : memref<64xi32, #tpu.memory_space<vmem>>) semaphore(%dma_start3A_238 : memref<!tpu.dma_semaphore, #tpu.memory_space<semaphore_mem>>)
    %dma_wait3A_239 = arith.constant 1 : i32
    %dma_wait3A_240 = arith.constant 1 : i32
    %dma_wait3A_241 = arith.constant 1 : i32
    %dma_wait3A_242 = arith.constant 0 : i32
    %dma_wait3A_243 = tpu.memref_slice %arg5[%dma_wait3A_240, %dma_wait3A_242] : memref<8x64xi32, #tpu.memory_space<vmem>> -> memref<1x64xi32, #tpu.memory_space<vmem>>
    %dma_wait3A_244 = tpu.memref_squeeze %dma_wait3A_243 : memref<1x64xi32, #tpu.memory_space<vmem>> -> memref<64xi32, #tpu.memory_space<vmem>>
    %dma_wait3A_245 = arith.constant 0 : i32
    %dma_wait3A_246 = arith.constant 0 : i32
    %dma_wait3A_247 = tpu.memref_slice %arg3[%add3A, %dma_wait3A_245, %dma_wait3A_246] : memref<32x8x64xi32, #tpu.memory_space<hbm>> -> memref<1x8x64xi32, #tpu.memory_space<hbm>>
    %dma_wait3A_248 = tpu.memref_squeeze %dma_wait3A_247 : memref<1x8x64xi32, #tpu.memory_space<hbm>> -> memref<8x64xi32, #tpu.memory_space<hbm>>
    %dma_wait3A_249 = arith.constant 0 : i32
    %dma_wait3A_250 = tpu.memref_slice %dma_wait3A_248[%dma_wait3A_239, %dma_wait3A_249] : memref<8x64xi32, #tpu.memory_space<hbm>> -> memref<1x64xi32, #tpu.memory_space<hbm>>
    %dma_wait3A_251 = tpu.memref_squeeze %dma_wait3A_250 : memref<1x64xi32, #tpu.memory_space<hbm>> -> memref<64xi32, #tpu.memory_space<hbm>>
    %dma_wait3A_252 = tpu.memref_slice %arg7[%dma_wait3A_241] : memref<8x!tpu.dma_semaphore, #tpu.memory_space<semaphore_mem>> -> memref<1x!tpu.dma_semaphore, #tpu.memory_space<semaphore_mem>>
    %dma_wait3A_253 = tpu.memref_squeeze %dma_wait3A_252 : memref<1x!tpu.dma_semaphore, #tpu.memory_space<semaphore_mem>> -> memref<!tpu.dma_semaphore, #tpu.memory_space<semaphore_mem>>
    %dma_wait3A_254 = arith.constant 0 : i32
    %dma_wait3A_255 = tpu.memref_slice %arg5[%dma_wait3A_240, %dma_wait3A_254] : memref<8x64xi32, #tpu.memory_space<vmem>> -> memref<1x64xi32, #tpu.memory_space<vmem>>
    %dma_wait3A_256 = tpu.memref_squeeze %dma_wait3A_255 : memref<1x64xi32, #tpu.memory_space<vmem>> -> memref<64xi32, #tpu.memory_space<vmem>>
    %dma_wait3A_257 = arith.constant 0 : i32
    %dma_wait3A_258 = arith.constant 0 : i32
    %dma_wait3A_259 = tpu.memref_slice %arg3[%add3A, %dma_wait3A_257, %dma_wait3A_258] : memref<32x8x64xi32, #tpu.memory_space<hbm>> -> memref<1x8x64xi32, #tpu.memory_space<hbm>>
    %dma_wait3A_260 = tpu.memref_squeeze %dma_wait3A_259 : memref<1x8x64xi32, #tpu.memory_space<hbm>> -> memref<8x64xi32, #tpu.memory_space<hbm>>
    %dma_wait3A_261 = arith.constant 0 : i32
    %dma_wait3A_262 = tpu.memref_slice %dma_wait3A_260[%dma_wait3A_239, %dma_wait3A_261] : memref<8x64xi32, #tpu.memory_space<hbm>> -> memref<1x64xi32, #tpu.memory_space<hbm>>
    %dma_wait3A_263 = tpu.memref_squeeze %dma_wait3A_262 : memref<1x64xi32, #tpu.memory_space<hbm>> -> memref<64xi32, #tpu.memory_space<hbm>>
    tpu.wait_dma2 semaphore(%dma_wait3A_253 : memref<!tpu.dma_semaphore, #tpu.memory_space<semaphore_mem>>) src(%dma_wait3A_263 : memref<64xi32, #tpu.memory_space<hbm>>) dst(%dma_wait3A_256 : memref<64xi32, #tpu.memory_space<vmem>>)
    %dma_start3A_264 = arith.constant 1 : i32
    %dma_start3A_265 = arith.constant 1 : i32
    %dma_start3A_266 = arith.constant 1 : i32
    %dma_start3A_267 = arith.constant 0 : i32
    %dma_start3A_268 = arith.constant 0 : i32
    %dma_start3A_269 = tpu.memref_slice %arg6[%dma_start3A_265, %dma_start3A_267, %dma_start3A_268] : memref<8x64x128xf32, #tpu.memory_space<vmem>> -> memref<1x64x128xf32, #tpu.memory_space<vmem>>
    %dma_start3A_270 = tpu.memref_squeeze %dma_start3A_269 : memref<1x64x128xf32, #tpu.memory_space<vmem>> -> memref<64x128xf32, #tpu.memory_space<vmem>>
    %dma_start3A_271 = arith.constant 0 : i32
    %dma_start3A_272 = tpu.memref_slice %arg5[%dma_start3A_264, %dma_start3A_271] : memref<8x64xi32, #tpu.memory_space<vmem>> -> memref<1x64xi32, #tpu.memory_space<vmem>>
    %dma_start3A_273 = tpu.memref_squeeze %dma_start3A_272 : memref<1x64xi32, #tpu.memory_space<vmem>> -> memref<64xi32, #tpu.memory_space<vmem>>
    %dma_start3A_274 = arith.constant 0 : i32
    %dma_start3A_275 = arith.constant 0 : i32
    %dma_start3A_276 = tpu.memref_slice %arg2[%dma_start3A_274, %dma_start3A_275] : memref<100000x128xf32, #tpu.memory_space<hbm>> -> memref<100000x128xf32, #tpu.memory_space<hbm>>
    %dma_start3A_277 = tpu.memref_slice %arg8[%dma_start3A_266] : memref<8x!tpu.dma_semaphore, #tpu.memory_space<semaphore_mem>> -> memref<1x!tpu.dma_semaphore, #tpu.memory_space<semaphore_mem>>
    %dma_start3A_278 = tpu.memref_squeeze %dma_start3A_277 : memref<1x!tpu.dma_semaphore, #tpu.memory_space<semaphore_mem>> -> memref<!tpu.dma_semaphore, #tpu.memory_space<semaphore_mem>>
    tpu.enqueue_indirect_dma source(%dma_start3A_276 : memref<100000x128xf32, #tpu.memory_space<hbm>>) target(%dma_start3A_270 : memref<64x128xf32, #tpu.memory_space<vmem>>) offsets(%dma_start3A_273 : memref<64xi32, #tpu.memory_space<vmem>>) semaphore(%dma_start3A_278 : memref<!tpu.dma_semaphore, #tpu.memory_space<semaphore_mem>>)
    %dma_wait3A_279 = arith.constant 2 : i32
    %dma_wait3A_280 = arith.constant 2 : i32
    %dma_wait3A_281 = arith.constant 2 : i32
    %dma_wait3A_282 = arith.constant 0 : i32
    %dma_wait3A_283 = tpu.memref_slice %arg5[%dma_wait3A_280, %dma_wait3A_282] : memref<8x64xi32, #tpu.memory_space<vmem>> -> memref<1x64xi32, #tpu.memory_space<vmem>>
    %dma_wait3A_284 = tpu.memref_squeeze %dma_wait3A_283 : memref<1x64xi32, #tpu.memory_space<vmem>> -> memref<64xi32, #tpu.memory_space<vmem>>
    %dma_wait3A_285 = arith.constant 0 : i32
    %dma_wait3A_286 = arith.constant 0 : i32
    %dma_wait3A_287 = tpu.memref_slice %arg3[%add3A, %dma_wait3A_285, %dma_wait3A_286] : memref<32x8x64xi32, #tpu.memory_space<hbm>> -> memref<1x8x64xi32, #tpu.memory_space<hbm>>
    %dma_wait3A_288 = tpu.memref_squeeze %dma_wait3A_287 : memref<1x8x64xi32, #tpu.memory_space<hbm>> -> memref<8x64xi32, #tpu.memory_space<hbm>>
    %dma_wait3A_289 = arith.constant 0 : i32
    %dma_wait3A_290 = tpu.memref_slice %dma_wait3A_288[%dma_wait3A_279, %dma_wait3A_289] : memref<8x64xi32, #tpu.memory_space<hbm>> -> memref<1x64xi32, #tpu.memory_space<hbm>>
    %dma_wait3A_291 = tpu.memref_squeeze %dma_wait3A_290 : memref<1x64xi32, #tpu.memory_space<hbm>> -> memref<64xi32, #tpu.memory_space<hbm>>
    %dma_wait3A_292 = tpu.memref_slice %arg7[%dma_wait3A_281] : memref<8x!tpu.dma_semaphore, #tpu.memory_space<semaphore_mem>> -> memref<1x!tpu.dma_semaphore, #tpu.memory_space<semaphore_mem>>
    %dma_wait3A_293 = tpu.memref_squeeze %dma_wait3A_292 : memref<1x!tpu.dma_semaphore, #tpu.memory_space<semaphore_mem>> -> memref<!tpu.dma_semaphore, #tpu.memory_space<semaphore_mem>>
    %dma_wait3A_294 = arith.constant 0 : i32
    %dma_wait3A_295 = tpu.memref_slice %arg5[%dma_wait3A_280, %dma_wait3A_294] : memref<8x64xi32, #tpu.memory_space<vmem>> -> memref<1x64xi32, #tpu.memory_space<vmem>>
    %dma_wait3A_296 = tpu.memref_squeeze %dma_wait3A_295 : memref<1x64xi32, #tpu.memory_space<vmem>> -> memref<64xi32, #tpu.memory_space<vmem>>
    %dma_wait3A_297 = arith.constant 0 : i32
    %dma_wait3A_298 = arith.constant 0 : i32
    %dma_wait3A_299 = tpu.memref_slice %arg3[%add3A, %dma_wait3A_297, %dma_wait3A_298] : memref<32x8x64xi32, #tpu.memory_space<hbm>> -> memref<1x8x64xi32, #tpu.memory_space<hbm>>
    %dma_wait3A_300 = tpu.memref_squeeze %dma_wait3A_299 : memref<1x8x64xi32, #tpu.memory_space<hbm>> -> memref<8x64xi32, #tpu.memory_space<hbm>>
    %dma_wait3A_301 = arith.constant 0 : i32
    %dma_wait3A_302 = tpu.memref_slice %dma_wait3A_300[%dma_wait3A_279, %dma_wait3A_301] : memref<8x64xi32, #tpu.memory_space<hbm>> -> memref<1x64xi32, #tpu.memory_space<hbm>>
    %dma_wait3A_303 = tpu.memref_squeeze %dma_wait3A_302 : memref<1x64xi32, #tpu.memory_space<hbm>> -> memref<64xi32, #tpu.memory_space<hbm>>
    tpu.wait_dma2 semaphore(%dma_wait3A_293 : memref<!tpu.dma_semaphore, #tpu.memory_space<semaphore_mem>>) src(%dma_wait3A_303 : memref<64xi32, #tpu.memory_space<hbm>>) dst(%dma_wait3A_296 : memref<64xi32, #tpu.memory_space<vmem>>)
    %dma_start3A_304 = arith.constant 2 : i32
    %dma_start3A_305 = arith.constant 2 : i32
    %dma_start3A_306 = arith.constant 2 : i32
    %dma_start3A_307 = arith.constant 0 : i32
    %dma_start3A_308 = arith.constant 0 : i32
    %dma_start3A_309 = tpu.memref_slice %arg6[%dma_start3A_305, %dma_start3A_307, %dma_start3A_308] : memref<8x64x128xf32, #tpu.memory_space<vmem>> -> memref<1x64x128xf32, #tpu.memory_space<vmem>>
    %dma_start3A_310 = tpu.memref_squeeze %dma_start3A_309 : memref<1x64x128xf32, #tpu.memory_space<vmem>> -> memref<64x128xf32, #tpu.memory_space<vmem>>
    %dma_start3A_311 = arith.constant 0 : i32
    %dma_start3A_312 = tpu.memref_slice %arg5[%dma_start3A_304, %dma_start3A_311] : memref<8x64xi32, #tpu.memory_space<vmem>> -> memref<1x64xi32, #tpu.memory_space<vmem>>
    %dma_start3A_313 = tpu.memref_squeeze %dma_start3A_312 : memref<1x64xi32, #tpu.memory_space<vmem>> -> memref<64xi32, #tpu.memory_space<vmem>>
    %dma_start3A_314 = arith.constant 0 : i32
    %dma_start3A_315 = arith.constant 0 : i32
    %dma_start3A_316 = tpu.memref_slice %arg2[%dma_start3A_314, %dma_start3A_315] : memref<100000x128xf32, #tpu.memory_space<hbm>> -> memref<100000x128xf32, #tpu.memory_space<hbm>>
    %dma_start3A_317 = tpu.memref_slice %arg8[%dma_start3A_306] : memref<8x!tpu.dma_semaphore, #tpu.memory_space<semaphore_mem>> -> memref<1x!tpu.dma_semaphore, #tpu.memory_space<semaphore_mem>>
    %dma_start3A_318 = tpu.memref_squeeze %dma_start3A_317 : memref<1x!tpu.dma_semaphore, #tpu.memory_space<semaphore_mem>> -> memref<!tpu.dma_semaphore, #tpu.memory_space<semaphore_mem>>
    tpu.enqueue_indirect_dma source(%dma_start3A_316 : memref<100000x128xf32, #tpu.memory_space<hbm>>) target(%dma_start3A_310 : memref<64x128xf32, #tpu.memory_space<vmem>>) offsets(%dma_start3A_313 : memref<64xi32, #tpu.memory_space<vmem>>) semaphore(%dma_start3A_318 : memref<!tpu.dma_semaphore, #tpu.memory_space<semaphore_mem>>)
    %dma_wait3A_319 = arith.constant 3 : i32
    %dma_wait3A_320 = arith.constant 3 : i32
    %dma_wait3A_321 = arith.constant 3 : i32
    %dma_wait3A_322 = arith.constant 0 : i32
    %dma_wait3A_323 = tpu.memref_slice %arg5[%dma_wait3A_320, %dma_wait3A_322] : memref<8x64xi32, #tpu.memory_space<vmem>> -> memref<1x64xi32, #tpu.memory_space<vmem>>
    %dma_wait3A_324 = tpu.memref_squeeze %dma_wait3A_323 : memref<1x64xi32, #tpu.memory_space<vmem>> -> memref<64xi32, #tpu.memory_space<vmem>>
    %dma_wait3A_325 = arith.constant 0 : i32
    %dma_wait3A_326 = arith.constant 0 : i32
    %dma_wait3A_327 = tpu.memref_slice %arg3[%add3A, %dma_wait3A_325, %dma_wait3A_326] : memref<32x8x64xi32, #tpu.memory_space<hbm>> -> memref<1x8x64xi32, #tpu.memory_space<hbm>>
    %dma_wait3A_328 = tpu.memref_squeeze %dma_wait3A_327 : memref<1x8x64xi32, #tpu.memory_space<hbm>> -> memref<8x64xi32, #tpu.memory_space<hbm>>
    %dma_wait3A_329 = arith.constant 0 : i32
    %dma_wait3A_330 = tpu.memref_slice %dma_wait3A_328[%dma_wait3A_319, %dma_wait3A_329] : memref<8x64xi32, #tpu.memory_space<hbm>> -> memref<1x64xi32, #tpu.memory_space<hbm>>
    %dma_wait3A_331 = tpu.memref_squeeze %dma_wait3A_330 : memref<1x64xi32, #tpu.memory_space<hbm>> -> memref<64xi32, #tpu.memory_space<hbm>>
    %dma_wait3A_332 = tpu.memref_slice %arg7[%dma_wait3A_321] : memref<8x!tpu.dma_semaphore, #tpu.memory_space<semaphore_mem>> -> memref<1x!tpu.dma_semaphore, #tpu.memory_space<semaphore_mem>>
    %dma_wait3A_333 = tpu.memref_squeeze %dma_wait3A_332 : memref<1x!tpu.dma_semaphore, #tpu.memory_space<semaphore_mem>> -> memref<!tpu.dma_semaphore, #tpu.memory_space<semaphore_mem>>
    %dma_wait3A_334 = arith.constant 0 : i32
    %dma_wait3A_335 = tpu.memref_slice %arg5[%dma_wait3A_320, %dma_wait3A_334] : memref<8x64xi32, #tpu.memory_space<vmem>> -> memref<1x64xi32, #tpu.memory_space<vmem>>
    %dma_wait3A_336 = tpu.memref_squeeze %dma_wait3A_335 : memref<1x64xi32, #tpu.memory_space<vmem>> -> memref<64xi32, #tpu.memory_space<vmem>>
    %dma_wait3A_337 = arith.constant 0 : i32
    %dma_wait3A_338 = arith.constant 0 : i32
    %dma_wait3A_339 = tpu.memref_slice %arg3[%add3A, %dma_wait3A_337, %dma_wait3A_338] : memref<32x8x64xi32, #tpu.memory_space<hbm>> -> memref<1x8x64xi32, #tpu.memory_space<hbm>>
    %dma_wait3A_340 = tpu.memref_squeeze %dma_wait3A_339 : memref<1x8x64xi32, #tpu.memory_space<hbm>> -> memref<8x64xi32, #tpu.memory_space<hbm>>
    %dma_wait3A_341 = arith.constant 0 : i32
    %dma_wait3A_342 = tpu.memref_slice %dma_wait3A_340[%dma_wait3A_319, %dma_wait3A_341] : memref<8x64xi32, #tpu.memory_space<hbm>> -> memref<1x64xi32, #tpu.memory_space<hbm>>
    %dma_wait3A_343 = tpu.memref_squeeze %dma_wait3A_342 : memref<1x64xi32, #tpu.memory_space<hbm>> -> memref<64xi32, #tpu.memory_space<hbm>>
    tpu.wait_dma2 semaphore(%dma_wait3A_333 : memref<!tpu.dma_semaphore, #tpu.memory_space<semaphore_mem>>) src(%dma_wait3A_343 : memref<64xi32, #tpu.memory_space<hbm>>) dst(%dma_wait3A_336 : memref<64xi32, #tpu.memory_space<vmem>>)
    %dma_start3A_344 = arith.constant 3 : i32
    %dma_start3A_345 = arith.constant 3 : i32
    %dma_start3A_346 = arith.constant 3 : i32
    %dma_start3A_347 = arith.constant 0 : i32
    %dma_start3A_348 = arith.constant 0 : i32
    %dma_start3A_349 = tpu.memref_slice %arg6[%dma_start3A_345, %dma_start3A_347, %dma_start3A_348] : memref<8x64x128xf32, #tpu.memory_space<vmem>> -> memref<1x64x128xf32, #tpu.memory_space<vmem>>
    %dma_start3A_350 = tpu.memref_squeeze %dma_start3A_349 : memref<1x64x128xf32, #tpu.memory_space<vmem>> -> memref<64x128xf32, #tpu.memory_space<vmem>>
    %dma_start3A_351 = arith.constant 0 : i32
    %dma_start3A_352 = tpu.memref_slice %arg5[%dma_start3A_344, %dma_start3A_351] : memref<8x64xi32, #tpu.memory_space<vmem>> -> memref<1x64xi32, #tpu.memory_space<vmem>>
    %dma_start3A_353 = tpu.memref_squeeze %dma_start3A_352 : memref<1x64xi32, #tpu.memory_space<vmem>> -> memref<64xi32, #tpu.memory_space<vmem>>
    %dma_start3A_354 = arith.constant 0 : i32
    %dma_start3A_355 = arith.constant 0 : i32
    %dma_start3A_356 = tpu.memref_slice %arg2[%dma_start3A_354, %dma_start3A_355] : memref<100000x128xf32, #tpu.memory_space<hbm>> -> memref<100000x128xf32, #tpu.memory_space<hbm>>
    %dma_start3A_357 = tpu.memref_slice %arg8[%dma_start3A_346] : memref<8x!tpu.dma_semaphore, #tpu.memory_space<semaphore_mem>> -> memref<1x!tpu.dma_semaphore, #tpu.memory_space<semaphore_mem>>
    %dma_start3A_358 = tpu.memref_squeeze %dma_start3A_357 : memref<1x!tpu.dma_semaphore, #tpu.memory_space<semaphore_mem>> -> memref<!tpu.dma_semaphore, #tpu.memory_space<semaphore_mem>>
    tpu.enqueue_indirect_dma source(%dma_start3A_356 : memref<100000x128xf32, #tpu.memory_space<hbm>>) target(%dma_start3A_350 : memref<64x128xf32, #tpu.memory_space<vmem>>) offsets(%dma_start3A_353 : memref<64xi32, #tpu.memory_space<vmem>>) semaphore(%dma_start3A_358 : memref<!tpu.dma_semaphore, #tpu.memory_space<semaphore_mem>>)
    %dma_wait3A_359 = arith.constant 4 : i32
    %dma_wait3A_360 = arith.constant 4 : i32
    %dma_wait3A_361 = arith.constant 4 : i32
    %dma_wait3A_362 = arith.constant 0 : i32
    %dma_wait3A_363 = tpu.memref_slice %arg5[%dma_wait3A_360, %dma_wait3A_362] : memref<8x64xi32, #tpu.memory_space<vmem>> -> memref<1x64xi32, #tpu.memory_space<vmem>>
    %dma_wait3A_364 = tpu.memref_squeeze %dma_wait3A_363 : memref<1x64xi32, #tpu.memory_space<vmem>> -> memref<64xi32, #tpu.memory_space<vmem>>
    %dma_wait3A_365 = arith.constant 0 : i32
    %dma_wait3A_366 = arith.constant 0 : i32
    %dma_wait3A_367 = tpu.memref_slice %arg3[%add3A, %dma_wait3A_365, %dma_wait3A_366] : memref<32x8x64xi32, #tpu.memory_space<hbm>> -> memref<1x8x64xi32, #tpu.memory_space<hbm>>
    %dma_wait3A_368 = tpu.memref_squeeze %dma_wait3A_367 : memref<1x8x64xi32, #tpu.memory_space<hbm>> -> memref<8x64xi32, #tpu.memory_space<hbm>>
    %dma_wait3A_369 = arith.constant 0 : i32
    %dma_wait3A_370 = tpu.memref_slice %dma_wait3A_368[%dma_wait3A_359, %dma_wait3A_369] : memref<8x64xi32, #tpu.memory_space<hbm>> -> memref<1x64xi32, #tpu.memory_space<hbm>>
    %dma_wait3A_371 = tpu.memref_squeeze %dma_wait3A_370 : memref<1x64xi32, #tpu.memory_space<hbm>> -> memref<64xi32, #tpu.memory_space<hbm>>
    %dma_wait3A_372 = tpu.memref_slice %arg7[%dma_wait3A_361] : memref<8x!tpu.dma_semaphore, #tpu.memory_space<semaphore_mem>> -> memref<1x!tpu.dma_semaphore, #tpu.memory_space<semaphore_mem>>
    %dma_wait3A_373 = tpu.memref_squeeze %dma_wait3A_372 : memref<1x!tpu.dma_semaphore, #tpu.memory_space<semaphore_mem>> -> memref<!tpu.dma_semaphore, #tpu.memory_space<semaphore_mem>>
    %dma_wait3A_374 = arith.constant 0 : i32
    %dma_wait3A_375 = tpu.memref_slice %arg5[%dma_wait3A_360, %dma_wait3A_374] : memref<8x64xi32, #tpu.memory_space<vmem>> -> memref<1x64xi32, #tpu.memory_space<vmem>>
    %dma_wait3A_376 = tpu.memref_squeeze %dma_wait3A_375 : memref<1x64xi32, #tpu.memory_space<vmem>> -> memref<64xi32, #tpu.memory_space<vmem>>
    %dma_wait3A_377 = arith.constant 0 : i32
    %dma_wait3A_378 = arith.constant 0 : i32
    %dma_wait3A_379 = tpu.memref_slice %arg3[%add3A, %dma_wait3A_377, %dma_wait3A_378] : memref<32x8x64xi32, #tpu.memory_space<hbm>> -> memref<1x8x64xi32, #tpu.memory_space<hbm>>
    %dma_wait3A_380 = tpu.memref_squeeze %dma_wait3A_379 : memref<1x8x64xi32, #tpu.memory_space<hbm>> -> memref<8x64xi32, #tpu.memory_space<hbm>>
    %dma_wait3A_381 = arith.constant 0 : i32
    %dma_wait3A_382 = tpu.memref_slice %dma_wait3A_380[%dma_wait3A_359, %dma_wait3A_381] : memref<8x64xi32, #tpu.memory_space<hbm>> -> memref<1x64xi32, #tpu.memory_space<hbm>>
    %dma_wait3A_383 = tpu.memref_squeeze %dma_wait3A_382 : memref<1x64xi32, #tpu.memory_space<hbm>> -> memref<64xi32, #tpu.memory_space<hbm>>
    tpu.wait_dma2 semaphore(%dma_wait3A_373 : memref<!tpu.dma_semaphore, #tpu.memory_space<semaphore_mem>>) src(%dma_wait3A_383 : memref<64xi32, #tpu.memory_space<hbm>>) dst(%dma_wait3A_376 : memref<64xi32, #tpu.memory_space<vmem>>)
    %dma_start3A_384 = arith.constant 4 : i32
    %dma_start3A_385 = arith.constant 4 : i32
    %dma_start3A_386 = arith.constant 4 : i32
    %dma_start3A_387 = arith.constant 0 : i32
    %dma_start3A_388 = arith.constant 0 : i32
    %dma_start3A_389 = tpu.memref_slice %arg6[%dma_start3A_385, %dma_start3A_387, %dma_start3A_388] : memref<8x64x128xf32, #tpu.memory_space<vmem>> -> memref<1x64x128xf32, #tpu.memory_space<vmem>>
    %dma_start3A_390 = tpu.memref_squeeze %dma_start3A_389 : memref<1x64x128xf32, #tpu.memory_space<vmem>> -> memref<64x128xf32, #tpu.memory_space<vmem>>
    %dma_start3A_391 = arith.constant 0 : i32
    %dma_start3A_392 = tpu.memref_slice %arg5[%dma_start3A_384, %dma_start3A_391] : memref<8x64xi32, #tpu.memory_space<vmem>> -> memref<1x64xi32, #tpu.memory_space<vmem>>
    %dma_start3A_393 = tpu.memref_squeeze %dma_start3A_392 : memref<1x64xi32, #tpu.memory_space<vmem>> -> memref<64xi32, #tpu.memory_space<vmem>>
    %dma_start3A_394 = arith.constant 0 : i32
    %dma_start3A_395 = arith.constant 0 : i32
    %dma_start3A_396 = tpu.memref_slice %arg2[%dma_start3A_394, %dma_start3A_395] : memref<100000x128xf32, #tpu.memory_space<hbm>> -> memref<100000x128xf32, #tpu.memory_space<hbm>>
    %dma_start3A_397 = tpu.memref_slice %arg8[%dma_start3A_386] : memref<8x!tpu.dma_semaphore, #tpu.memory_space<semaphore_mem>> -> memref<1x!tpu.dma_semaphore, #tpu.memory_space<semaphore_mem>>
    %dma_start3A_398 = tpu.memref_squeeze %dma_start3A_397 : memref<1x!tpu.dma_semaphore, #tpu.memory_space<semaphore_mem>> -> memref<!tpu.dma_semaphore, #tpu.memory_space<semaphore_mem>>
    tpu.enqueue_indirect_dma source(%dma_start3A_396 : memref<100000x128xf32, #tpu.memory_space<hbm>>) target(%dma_start3A_390 : memref<64x128xf32, #tpu.memory_space<vmem>>) offsets(%dma_start3A_393 : memref<64xi32, #tpu.memory_space<vmem>>) semaphore(%dma_start3A_398 : memref<!tpu.dma_semaphore, #tpu.memory_space<semaphore_mem>>)
    %dma_wait3A_399 = arith.constant 5 : i32
    %dma_wait3A_400 = arith.constant 5 : i32
    %dma_wait3A_401 = arith.constant 5 : i32
    %dma_wait3A_402 = arith.constant 0 : i32
    %dma_wait3A_403 = tpu.memref_slice %arg5[%dma_wait3A_400, %dma_wait3A_402] : memref<8x64xi32, #tpu.memory_space<vmem>> -> memref<1x64xi32, #tpu.memory_space<vmem>>
    %dma_wait3A_404 = tpu.memref_squeeze %dma_wait3A_403 : memref<1x64xi32, #tpu.memory_space<vmem>> -> memref<64xi32, #tpu.memory_space<vmem>>
    %dma_wait3A_405 = arith.constant 0 : i32
    %dma_wait3A_406 = arith.constant 0 : i32
    %dma_wait3A_407 = tpu.memref_slice %arg3[%add3A, %dma_wait3A_405, %dma_wait3A_406] : memref<32x8x64xi32, #tpu.memory_space<hbm>> -> memref<1x8x64xi32, #tpu.memory_space<hbm>>
    %dma_wait3A_408 = tpu.memref_squeeze %dma_wait3A_407 : memref<1x8x64xi32, #tpu.memory_space<hbm>> -> memref<8x64xi32, #tpu.memory_space<hbm>>
    %dma_wait3A_409 = arith.constant 0 : i32
    %dma_wait3A_410 = tpu.memref_slice %dma_wait3A_408[%dma_wait3A_399, %dma_wait3A_409] : memref<8x64xi32, #tpu.memory_space<hbm>> -> memref<1x64xi32, #tpu.memory_space<hbm>>
    %dma_wait3A_411 = tpu.memref_squeeze %dma_wait3A_410 : memref<1x64xi32, #tpu.memory_space<hbm>> -> memref<64xi32, #tpu.memory_space<hbm>>
    %dma_wait3A_412 = tpu.memref_slice %arg7[%dma_wait3A_401] : memref<8x!tpu.dma_semaphore, #tpu.memory_space<semaphore_mem>> -> memref<1x!tpu.dma_semaphore, #tpu.memory_space<semaphore_mem>>
    %dma_wait3A_413 = tpu.memref_squeeze %dma_wait3A_412 : memref<1x!tpu.dma_semaphore, #tpu.memory_space<semaphore_mem>> -> memref<!tpu.dma_semaphore, #tpu.memory_space<semaphore_mem>>
    %dma_wait3A_414 = arith.constant 0 : i32
    %dma_wait3A_415 = tpu.memref_slice %arg5[%dma_wait3A_400, %dma_wait3A_414] : memref<8x64xi32, #tpu.memory_space<vmem>> -> memref<1x64xi32, #tpu.memory_space<vmem>>
    %dma_wait3A_416 = tpu.memref_squeeze %dma_wait3A_415 : memref<1x64xi32, #tpu.memory_space<vmem>> -> memref<64xi32, #tpu.memory_space<vmem>>
    %dma_wait3A_417 = arith.constant 0 : i32
    %dma_wait3A_418 = arith.constant 0 : i32
    %dma_wait3A_419 = tpu.memref_slice %arg3[%add3A, %dma_wait3A_417, %dma_wait3A_418] : memref<32x8x64xi32, #tpu.memory_space<hbm>> -> memref<1x8x64xi32, #tpu.memory_space<hbm>>
    %dma_wait3A_420 = tpu.memref_squeeze %dma_wait3A_419 : memref<1x8x64xi32, #tpu.memory_space<hbm>> -> memref<8x64xi32, #tpu.memory_space<hbm>>
    %dma_wait3A_421 = arith.constant 0 : i32
    %dma_wait3A_422 = tpu.memref_slice %dma_wait3A_420[%dma_wait3A_399, %dma_wait3A_421] : memref<8x64xi32, #tpu.memory_space<hbm>> -> memref<1x64xi32, #tpu.memory_space<hbm>>
    %dma_wait3A_423 = tpu.memref_squeeze %dma_wait3A_422 : memref<1x64xi32, #tpu.memory_space<hbm>> -> memref<64xi32, #tpu.memory_space<hbm>>
    tpu.wait_dma2 semaphore(%dma_wait3A_413 : memref<!tpu.dma_semaphore, #tpu.memory_space<semaphore_mem>>) src(%dma_wait3A_423 : memref<64xi32, #tpu.memory_space<hbm>>) dst(%dma_wait3A_416 : memref<64xi32, #tpu.memory_space<vmem>>)
    %dma_start3A_424 = arith.constant 5 : i32
    %dma_start3A_425 = arith.constant 5 : i32
    %dma_start3A_426 = arith.constant 5 : i32
    %dma_start3A_427 = arith.constant 0 : i32
    %dma_start3A_428 = arith.constant 0 : i32
    %dma_start3A_429 = tpu.memref_slice %arg6[%dma_start3A_425, %dma_start3A_427, %dma_start3A_428] : memref<8x64x128xf32, #tpu.memory_space<vmem>> -> memref<1x64x128xf32, #tpu.memory_space<vmem>>
    %dma_start3A_430 = tpu.memref_squeeze %dma_start3A_429 : memref<1x64x128xf32, #tpu.memory_space<vmem>> -> memref<64x128xf32, #tpu.memory_space<vmem>>
    %dma_start3A_431 = arith.constant 0 : i32
    %dma_start3A_432 = tpu.memref_slice %arg5[%dma_start3A_424, %dma_start3A_431] : memref<8x64xi32, #tpu.memory_space<vmem>> -> memref<1x64xi32, #tpu.memory_space<vmem>>
    %dma_start3A_433 = tpu.memref_squeeze %dma_start3A_432 : memref<1x64xi32, #tpu.memory_space<vmem>> -> memref<64xi32, #tpu.memory_space<vmem>>
    %dma_start3A_434 = arith.constant 0 : i32
    %dma_start3A_435 = arith.constant 0 : i32
    %dma_start3A_436 = tpu.memref_slice %arg2[%dma_start3A_434, %dma_start3A_435] : memref<100000x128xf32, #tpu.memory_space<hbm>> -> memref<100000x128xf32, #tpu.memory_space<hbm>>
    %dma_start3A_437 = tpu.memref_slice %arg8[%dma_start3A_426] : memref<8x!tpu.dma_semaphore, #tpu.memory_space<semaphore_mem>> -> memref<1x!tpu.dma_semaphore, #tpu.memory_space<semaphore_mem>>
    %dma_start3A_438 = tpu.memref_squeeze %dma_start3A_437 : memref<1x!tpu.dma_semaphore, #tpu.memory_space<semaphore_mem>> -> memref<!tpu.dma_semaphore, #tpu.memory_space<semaphore_mem>>
    tpu.enqueue_indirect_dma source(%dma_start3A_436 : memref<100000x128xf32, #tpu.memory_space<hbm>>) target(%dma_start3A_430 : memref<64x128xf32, #tpu.memory_space<vmem>>) offsets(%dma_start3A_433 : memref<64xi32, #tpu.memory_space<vmem>>) semaphore(%dma_start3A_438 : memref<!tpu.dma_semaphore, #tpu.memory_space<semaphore_mem>>)
    %dma_wait3A_439 = arith.constant 6 : i32
    %dma_wait3A_440 = arith.constant 6 : i32
    %dma_wait3A_441 = arith.constant 6 : i32
    %dma_wait3A_442 = arith.constant 0 : i32
    %dma_wait3A_443 = tpu.memref_slice %arg5[%dma_wait3A_440, %dma_wait3A_442] : memref<8x64xi32, #tpu.memory_space<vmem>> -> memref<1x64xi32, #tpu.memory_space<vmem>>
    %dma_wait3A_444 = tpu.memref_squeeze %dma_wait3A_443 : memref<1x64xi32, #tpu.memory_space<vmem>> -> memref<64xi32, #tpu.memory_space<vmem>>
    %dma_wait3A_445 = arith.constant 0 : i32
    %dma_wait3A_446 = arith.constant 0 : i32
    %dma_wait3A_447 = tpu.memref_slice %arg3[%add3A, %dma_wait3A_445, %dma_wait3A_446] : memref<32x8x64xi32, #tpu.memory_space<hbm>> -> memref<1x8x64xi32, #tpu.memory_space<hbm>>
    %dma_wait3A_448 = tpu.memref_squeeze %dma_wait3A_447 : memref<1x8x64xi32, #tpu.memory_space<hbm>> -> memref<8x64xi32, #tpu.memory_space<hbm>>
    %dma_wait3A_449 = arith.constant 0 : i32
    %dma_wait3A_450 = tpu.memref_slice %dma_wait3A_448[%dma_wait3A_439, %dma_wait3A_449] : memref<8x64xi32, #tpu.memory_space<hbm>> -> memref<1x64xi32, #tpu.memory_space<hbm>>
    %dma_wait3A_451 = tpu.memref_squeeze %dma_wait3A_450 : memref<1x64xi32, #tpu.memory_space<hbm>> -> memref<64xi32, #tpu.memory_space<hbm>>
    %dma_wait3A_452 = tpu.memref_slice %arg7[%dma_wait3A_441] : memref<8x!tpu.dma_semaphore, #tpu.memory_space<semaphore_mem>> -> memref<1x!tpu.dma_semaphore, #tpu.memory_space<semaphore_mem>>
    %dma_wait3A_453 = tpu.memref_squeeze %dma_wait3A_452 : memref<1x!tpu.dma_semaphore, #tpu.memory_space<semaphore_mem>> -> memref<!tpu.dma_semaphore, #tpu.memory_space<semaphore_mem>>
    %dma_wait3A_454 = arith.constant 0 : i32
    %dma_wait3A_455 = tpu.memref_slice %arg5[%dma_wait3A_440, %dma_wait3A_454] : memref<8x64xi32, #tpu.memory_space<vmem>> -> memref<1x64xi32, #tpu.memory_space<vmem>>
    %dma_wait3A_456 = tpu.memref_squeeze %dma_wait3A_455 : memref<1x64xi32, #tpu.memory_space<vmem>> -> memref<64xi32, #tpu.memory_space<vmem>>
    %dma_wait3A_457 = arith.constant 0 : i32
    %dma_wait3A_458 = arith.constant 0 : i32
    %dma_wait3A_459 = tpu.memref_slice %arg3[%add3A, %dma_wait3A_457, %dma_wait3A_458] : memref<32x8x64xi32, #tpu.memory_space<hbm>> -> memref<1x8x64xi32, #tpu.memory_space<hbm>>
    %dma_wait3A_460 = tpu.memref_squeeze %dma_wait3A_459 : memref<1x8x64xi32, #tpu.memory_space<hbm>> -> memref<8x64xi32, #tpu.memory_space<hbm>>
    %dma_wait3A_461 = arith.constant 0 : i32
    %dma_wait3A_462 = tpu.memref_slice %dma_wait3A_460[%dma_wait3A_439, %dma_wait3A_461] : memref<8x64xi32, #tpu.memory_space<hbm>> -> memref<1x64xi32, #tpu.memory_space<hbm>>
    %dma_wait3A_463 = tpu.memref_squeeze %dma_wait3A_462 : memref<1x64xi32, #tpu.memory_space<hbm>> -> memref<64xi32, #tpu.memory_space<hbm>>
    tpu.wait_dma2 semaphore(%dma_wait3A_453 : memref<!tpu.dma_semaphore, #tpu.memory_space<semaphore_mem>>) src(%dma_wait3A_463 : memref<64xi32, #tpu.memory_space<hbm>>) dst(%dma_wait3A_456 : memref<64xi32, #tpu.memory_space<vmem>>)
    %dma_start3A_464 = arith.constant 6 : i32
    %dma_start3A_465 = arith.constant 6 : i32
    %dma_start3A_466 = arith.constant 6 : i32
    %dma_start3A_467 = arith.constant 0 : i32
    %dma_start3A_468 = arith.constant 0 : i32
    %dma_start3A_469 = tpu.memref_slice %arg6[%dma_start3A_465, %dma_start3A_467, %dma_start3A_468] : memref<8x64x128xf32, #tpu.memory_space<vmem>> -> memref<1x64x128xf32, #tpu.memory_space<vmem>>
    %dma_start3A_470 = tpu.memref_squeeze %dma_start3A_469 : memref<1x64x128xf32, #tpu.memory_space<vmem>> -> memref<64x128xf32, #tpu.memory_space<vmem>>
    %dma_start3A_471 = arith.constant 0 : i32
    %dma_start3A_472 = tpu.memref_slice %arg5[%dma_start3A_464, %dma_start3A_471] : memref<8x64xi32, #tpu.memory_space<vmem>> -> memref<1x64xi32, #tpu.memory_space<vmem>>
    %dma_start3A_473 = tpu.memref_squeeze %dma_start3A_472 : memref<1x64xi32, #tpu.memory_space<vmem>> -> memref<64xi32, #tpu.memory_space<vmem>>
    %dma_start3A_474 = arith.constant 0 : i32
    %dma_start3A_475 = arith.constant 0 : i32
    %dma_start3A_476 = tpu.memref_slice %arg2[%dma_start3A_474, %dma_start3A_475] : memref<100000x128xf32, #tpu.memory_space<hbm>> -> memref<100000x128xf32, #tpu.memory_space<hbm>>
    %dma_start3A_477 = tpu.memref_slice %arg8[%dma_start3A_466] : memref<8x!tpu.dma_semaphore, #tpu.memory_space<semaphore_mem>> -> memref<1x!tpu.dma_semaphore, #tpu.memory_space<semaphore_mem>>
    %dma_start3A_478 = tpu.memref_squeeze %dma_start3A_477 : memref<1x!tpu.dma_semaphore, #tpu.memory_space<semaphore_mem>> -> memref<!tpu.dma_semaphore, #tpu.memory_space<semaphore_mem>>
    tpu.enqueue_indirect_dma source(%dma_start3A_476 : memref<100000x128xf32, #tpu.memory_space<hbm>>) target(%dma_start3A_470 : memref<64x128xf32, #tpu.memory_space<vmem>>) offsets(%dma_start3A_473 : memref<64xi32, #tpu.memory_space<vmem>>) semaphore(%dma_start3A_478 : memref<!tpu.dma_semaphore, #tpu.memory_space<semaphore_mem>>)
    %dma_wait3A_479 = arith.constant 7 : i32
    %dma_wait3A_480 = arith.constant 7 : i32
    %dma_wait3A_481 = arith.constant 7 : i32
    %dma_wait3A_482 = arith.constant 0 : i32
    %dma_wait3A_483 = tpu.memref_slice %arg5[%dma_wait3A_480, %dma_wait3A_482] : memref<8x64xi32, #tpu.memory_space<vmem>> -> memref<1x64xi32, #tpu.memory_space<vmem>>
    %dma_wait3A_484 = tpu.memref_squeeze %dma_wait3A_483 : memref<1x64xi32, #tpu.memory_space<vmem>> -> memref<64xi32, #tpu.memory_space<vmem>>
    %dma_wait3A_485 = arith.constant 0 : i32
    %dma_wait3A_486 = arith.constant 0 : i32
    %dma_wait3A_487 = tpu.memref_slice %arg3[%add3A, %dma_wait3A_485, %dma_wait3A_486] : memref<32x8x64xi32, #tpu.memory_space<hbm>> -> memref<1x8x64xi32, #tpu.memory_space<hbm>>
    %dma_wait3A_488 = tpu.memref_squeeze %dma_wait3A_487 : memref<1x8x64xi32, #tpu.memory_space<hbm>> -> memref<8x64xi32, #tpu.memory_space<hbm>>
    %dma_wait3A_489 = arith.constant 0 : i32
    %dma_wait3A_490 = tpu.memref_slice %dma_wait3A_488[%dma_wait3A_479, %dma_wait3A_489] : memref<8x64xi32, #tpu.memory_space<hbm>> -> memref<1x64xi32, #tpu.memory_space<hbm>>
    %dma_wait3A_491 = tpu.memref_squeeze %dma_wait3A_490 : memref<1x64xi32, #tpu.memory_space<hbm>> -> memref<64xi32, #tpu.memory_space<hbm>>
    %dma_wait3A_492 = tpu.memref_slice %arg7[%dma_wait3A_481] : memref<8x!tpu.dma_semaphore, #tpu.memory_space<semaphore_mem>> -> memref<1x!tpu.dma_semaphore, #tpu.memory_space<semaphore_mem>>
    %dma_wait3A_493 = tpu.memref_squeeze %dma_wait3A_492 : memref<1x!tpu.dma_semaphore, #tpu.memory_space<semaphore_mem>> -> memref<!tpu.dma_semaphore, #tpu.memory_space<semaphore_mem>>
    %dma_wait3A_494 = arith.constant 0 : i32
    %dma_wait3A_495 = tpu.memref_slice %arg5[%dma_wait3A_480, %dma_wait3A_494] : memref<8x64xi32, #tpu.memory_space<vmem>> -> memref<1x64xi32, #tpu.memory_space<vmem>>
    %dma_wait3A_496 = tpu.memref_squeeze %dma_wait3A_495 : memref<1x64xi32, #tpu.memory_space<vmem>> -> memref<64xi32, #tpu.memory_space<vmem>>
    %dma_wait3A_497 = arith.constant 0 : i32
    %dma_wait3A_498 = arith.constant 0 : i32
    %dma_wait3A_499 = tpu.memref_slice %arg3[%add3A, %dma_wait3A_497, %dma_wait3A_498] : memref<32x8x64xi32, #tpu.memory_space<hbm>> -> memref<1x8x64xi32, #tpu.memory_space<hbm>>
    %dma_wait3A_500 = tpu.memref_squeeze %dma_wait3A_499 : memref<1x8x64xi32, #tpu.memory_space<hbm>> -> memref<8x64xi32, #tpu.memory_space<hbm>>
    %dma_wait3A_501 = arith.constant 0 : i32
    %dma_wait3A_502 = tpu.memref_slice %dma_wait3A_500[%dma_wait3A_479, %dma_wait3A_501] : memref<8x64xi32, #tpu.memory_space<hbm>> -> memref<1x64xi32, #tpu.memory_space<hbm>>
    %dma_wait3A_503 = tpu.memref_squeeze %dma_wait3A_502 : memref<1x64xi32, #tpu.memory_space<hbm>> -> memref<64xi32, #tpu.memory_space<hbm>>
    tpu.wait_dma2 semaphore(%dma_wait3A_493 : memref<!tpu.dma_semaphore, #tpu.memory_space<semaphore_mem>>) src(%dma_wait3A_503 : memref<64xi32, #tpu.memory_space<hbm>>) dst(%dma_wait3A_496 : memref<64xi32, #tpu.memory_space<vmem>>)
    %dma_start3A_504 = arith.constant 7 : i32
    %dma_start3A_505 = arith.constant 7 : i32
    %dma_start3A_506 = arith.constant 7 : i32
    %dma_start3A_507 = arith.constant 0 : i32
    %dma_start3A_508 = arith.constant 0 : i32
    %dma_start3A_509 = tpu.memref_slice %arg6[%dma_start3A_505, %dma_start3A_507, %dma_start3A_508] : memref<8x64x128xf32, #tpu.memory_space<vmem>> -> memref<1x64x128xf32, #tpu.memory_space<vmem>>
    %dma_start3A_510 = tpu.memref_squeeze %dma_start3A_509 : memref<1x64x128xf32, #tpu.memory_space<vmem>> -> memref<64x128xf32, #tpu.memory_space<vmem>>
    %dma_start3A_511 = arith.constant 0 : i32
    %dma_start3A_512 = tpu.memref_slice %arg5[%dma_start3A_504, %dma_start3A_511] : memref<8x64xi32, #tpu.memory_space<vmem>> -> memref<1x64xi32, #tpu.memory_space<vmem>>
    %dma_start3A_513 = tpu.memref_squeeze %dma_start3A_512 : memref<1x64xi32, #tpu.memory_space<vmem>> -> memref<64xi32, #tpu.memory_space<vmem>>
    %dma_start3A_514 = arith.constant 0 : i32
    %dma_start3A_515 = arith.constant 0 : i32
    %dma_start3A_516 = tpu.memref_slice %arg2[%dma_start3A_514, %dma_start3A_515] : memref<100000x128xf32, #tpu.memory_space<hbm>> -> memref<100000x128xf32, #tpu.memory_space<hbm>>
    %dma_start3A_517 = tpu.memref_slice %arg8[%dma_start3A_506] : memref<8x!tpu.dma_semaphore, #tpu.memory_space<semaphore_mem>> -> memref<1x!tpu.dma_semaphore, #tpu.memory_space<semaphore_mem>>
    %dma_start3A_518 = tpu.memref_squeeze %dma_start3A_517 : memref<1x!tpu.dma_semaphore, #tpu.memory_space<semaphore_mem>> -> memref<!tpu.dma_semaphore, #tpu.memory_space<semaphore_mem>>
    tpu.enqueue_indirect_dma source(%dma_start3A_516 : memref<100000x128xf32, #tpu.memory_space<hbm>>) target(%dma_start3A_510 : memref<64x128xf32, #tpu.memory_space<vmem>>) offsets(%dma_start3A_513 : memref<64xi32, #tpu.memory_space<vmem>>) semaphore(%dma_start3A_518 : memref<!tpu.dma_semaphore, #tpu.memory_space<semaphore_mem>>)
    %mul3A_519 = arith.constant 512 : i32
    %mul3A_520 = arith.muli %add3A, %mul3A_519 : i32
    %dma_wait3A_521 = arith.constant 0 : i32
    %dma_wait3A_522 = arith.constant 0 : i32
    %dma_wait3A_523 = arith.constant 0 : i32
    %dma_wait3A_524 = arith.constant 0 : i32
    %dma_wait3A_525 = arith.constant 0 : i32
    %dma_wait3A_526 = tpu.memref_slice %arg6[%dma_wait3A_522, %dma_wait3A_524, %dma_wait3A_525] : memref<8x64x128xf32, #tpu.memory_space<vmem>> -> memref<1x64x128xf32, #tpu.memory_space<vmem>>
    %dma_wait3A_527 = tpu.memref_squeeze %dma_wait3A_526 : memref<1x64x128xf32, #tpu.memory_space<vmem>> -> memref<64x128xf32, #tpu.memory_space<vmem>>
    %dma_wait3A_528 = arith.constant 0 : i32
    %dma_wait3A_529 = tpu.memref_slice %arg5[%dma_wait3A_521, %dma_wait3A_528] : memref<8x64xi32, #tpu.memory_space<vmem>> -> memref<1x64xi32, #tpu.memory_space<vmem>>
    %dma_wait3A_530 = tpu.memref_squeeze %dma_wait3A_529 : memref<1x64xi32, #tpu.memory_space<vmem>> -> memref<64xi32, #tpu.memory_space<vmem>>
    %dma_wait3A_531 = arith.constant 0 : i32
    %dma_wait3A_532 = arith.constant 0 : i32
    %dma_wait3A_533 = tpu.memref_slice %arg2[%dma_wait3A_531, %dma_wait3A_532] : memref<100000x128xf32, #tpu.memory_space<hbm>> -> memref<100000x128xf32, #tpu.memory_space<hbm>>
    %dma_wait3A_534 = tpu.memref_slice %arg8[%dma_wait3A_523] : memref<8x!tpu.dma_semaphore, #tpu.memory_space<semaphore_mem>> -> memref<1x!tpu.dma_semaphore, #tpu.memory_space<semaphore_mem>>
    %dma_wait3A_535 = tpu.memref_squeeze %dma_wait3A_534 : memref<1x!tpu.dma_semaphore, #tpu.memory_space<semaphore_mem>> -> memref<!tpu.dma_semaphore, #tpu.memory_space<semaphore_mem>>
    tpu.wait_indirect_dma semaphore(%dma_wait3A_535 : memref<!tpu.dma_semaphore, #tpu.memory_space<semaphore_mem>>) src(%dma_wait3A_533 : memref<100000x128xf32, #tpu.memory_space<hbm>>) dst(%dma_wait3A_527 : memref<64x128xf32, #tpu.memory_space<vmem>>)
    %add3A_536 = arith.constant 0 : i32
    %add3A_537 = arith.addi %mul3A_520, %add3A_536 : i32
    %dma_start3A_538 = arith.constant 0 : i32
    %dma_start3A_539 = arith.constant 0 : i32
    %dma_start3A_540 = arith.constant 0 : i32
    %dma_start3A_541 = arith.constant 0 : i32
    %dma_start3A_542 = tpu.memref_slice %arg6[%dma_start3A_538, %dma_start3A_540, %dma_start3A_541] : memref<8x64x128xf32, #tpu.memory_space<vmem>> -> memref<1x64x128xf32, #tpu.memory_space<vmem>>
    %dma_start3A_543 = tpu.memref_squeeze %dma_start3A_542 : memref<1x64x128xf32, #tpu.memory_space<vmem>> -> memref<64x128xf32, #tpu.memory_space<vmem>>
    %dma_start3A_544 = arith.constant 0 : i32
    %dma_start3A_545 = tpu.memref_slice %arg4[%add3A_537, %dma_start3A_544] : memref<16384x128xf32, #tpu.memory_space<hbm>> -> memref<64x128xf32, #tpu.memory_space<hbm>>
    %dma_start3A_546 = tpu.memref_slice %arg9[%dma_start3A_539] : memref<8x!tpu.dma_semaphore, #tpu.memory_space<semaphore_mem>> -> memref<1x!tpu.dma_semaphore, #tpu.memory_space<semaphore_mem>>
    %dma_start3A_547 = tpu.memref_squeeze %dma_start3A_546 : memref<1x!tpu.dma_semaphore, #tpu.memory_space<semaphore_mem>> -> memref<!tpu.dma_semaphore, #tpu.memory_space<semaphore_mem>>
    %dma_start3A_548 = arith.constant 0 : i32
    %dma_start3A_549 = tpu.memref_slice %arg4[%add3A_537, %dma_start3A_548] : memref<16384x128xf32, #tpu.memory_space<hbm>> -> memref<64x128xf32, #tpu.memory_space<hbm>>
    %dma_start3A_550 = arith.constant 0 : i32
    %dma_start3A_551 = arith.constant 0 : i32
    %dma_start3A_552 = tpu.memref_slice %arg6[%dma_start3A_538, %dma_start3A_550, %dma_start3A_551] : memref<8x64x128xf32, #tpu.memory_space<vmem>> -> memref<1x64x128xf32, #tpu.memory_space<vmem>>
    %dma_start3A_553 = tpu.memref_squeeze %dma_start3A_552 : memref<1x64x128xf32, #tpu.memory_space<vmem>> -> memref<64x128xf32, #tpu.memory_space<vmem>>
    tpu.enqueue_dma source(%dma_start3A_553 : memref<64x128xf32, #tpu.memory_space<vmem>>) target(%dma_start3A_549 : memref<64x128xf32, #tpu.memory_space<hbm>>) target_semaphore(%dma_start3A_547 : memref<!tpu.dma_semaphore, #tpu.memory_space<semaphore_mem>>)
    %dma_wait3A_554 = arith.constant 1 : i32
    %dma_wait3A_555 = arith.constant 1 : i32
    %dma_wait3A_556 = arith.constant 1 : i32
    %dma_wait3A_557 = arith.constant 0 : i32
    %dma_wait3A_558 = arith.constant 0 : i32
    %dma_wait3A_559 = tpu.memref_slice %arg6[%dma_wait3A_555, %dma_wait3A_557, %dma_wait3A_558] : memref<8x64x128xf32, #tpu.memory_space<vmem>> -> memref<1x64x128xf32, #tpu.memory_space<vmem>>
    %dma_wait3A_560 = tpu.memref_squeeze %dma_wait3A_559 : memref<1x64x128xf32, #tpu.memory_space<vmem>> -> memref<64x128xf32, #tpu.memory_space<vmem>>
    %dma_wait3A_561 = arith.constant 0 : i32
    %dma_wait3A_562 = tpu.memref_slice %arg5[%dma_wait3A_554, %dma_wait3A_561] : memref<8x64xi32, #tpu.memory_space<vmem>> -> memref<1x64xi32, #tpu.memory_space<vmem>>
    %dma_wait3A_563 = tpu.memref_squeeze %dma_wait3A_562 : memref<1x64xi32, #tpu.memory_space<vmem>> -> memref<64xi32, #tpu.memory_space<vmem>>
    %dma_wait3A_564 = arith.constant 0 : i32
    %dma_wait3A_565 = arith.constant 0 : i32
    %dma_wait3A_566 = tpu.memref_slice %arg2[%dma_wait3A_564, %dma_wait3A_565] : memref<100000x128xf32, #tpu.memory_space<hbm>> -> memref<100000x128xf32, #tpu.memory_space<hbm>>
    %dma_wait3A_567 = tpu.memref_slice %arg8[%dma_wait3A_556] : memref<8x!tpu.dma_semaphore, #tpu.memory_space<semaphore_mem>> -> memref<1x!tpu.dma_semaphore, #tpu.memory_space<semaphore_mem>>
    %dma_wait3A_568 = tpu.memref_squeeze %dma_wait3A_567 : memref<1x!tpu.dma_semaphore, #tpu.memory_space<semaphore_mem>> -> memref<!tpu.dma_semaphore, #tpu.memory_space<semaphore_mem>>
    tpu.wait_indirect_dma semaphore(%dma_wait3A_568 : memref<!tpu.dma_semaphore, #tpu.memory_space<semaphore_mem>>) src(%dma_wait3A_566 : memref<100000x128xf32, #tpu.memory_space<hbm>>) dst(%dma_wait3A_560 : memref<64x128xf32, #tpu.memory_space<vmem>>)
    %add3A_569 = arith.constant 64 : i32
    %add3A_570 = arith.addi %mul3A_520, %add3A_569 : i32
    %dma_start3A_571 = arith.constant 1 : i32
    %dma_start3A_572 = arith.constant 1 : i32
    %dma_start3A_573 = arith.constant 0 : i32
    %dma_start3A_574 = arith.constant 0 : i32
    %dma_start3A_575 = tpu.memref_slice %arg6[%dma_start3A_571, %dma_start3A_573, %dma_start3A_574] : memref<8x64x128xf32, #tpu.memory_space<vmem>> -> memref<1x64x128xf32, #tpu.memory_space<vmem>>
    %dma_start3A_576 = tpu.memref_squeeze %dma_start3A_575 : memref<1x64x128xf32, #tpu.memory_space<vmem>> -> memref<64x128xf32, #tpu.memory_space<vmem>>
    %dma_start3A_577 = arith.constant 0 : i32
    %dma_start3A_578 = tpu.memref_slice %arg4[%add3A_570, %dma_start3A_577] : memref<16384x128xf32, #tpu.memory_space<hbm>> -> memref<64x128xf32, #tpu.memory_space<hbm>>
    %dma_start3A_579 = tpu.memref_slice %arg9[%dma_start3A_572] : memref<8x!tpu.dma_semaphore, #tpu.memory_space<semaphore_mem>> -> memref<1x!tpu.dma_semaphore, #tpu.memory_space<semaphore_mem>>
    %dma_start3A_580 = tpu.memref_squeeze %dma_start3A_579 : memref<1x!tpu.dma_semaphore, #tpu.memory_space<semaphore_mem>> -> memref<!tpu.dma_semaphore, #tpu.memory_space<semaphore_mem>>
    %dma_start3A_581 = arith.constant 0 : i32
    %dma_start3A_582 = tpu.memref_slice %arg4[%add3A_570, %dma_start3A_581] : memref<16384x128xf32, #tpu.memory_space<hbm>> -> memref<64x128xf32, #tpu.memory_space<hbm>>
    %dma_start3A_583 = arith.constant 0 : i32
    %dma_start3A_584 = arith.constant 0 : i32
    %dma_start3A_585 = tpu.memref_slice %arg6[%dma_start3A_571, %dma_start3A_583, %dma_start3A_584] : memref<8x64x128xf32, #tpu.memory_space<vmem>> -> memref<1x64x128xf32, #tpu.memory_space<vmem>>
    %dma_start3A_586 = tpu.memref_squeeze %dma_start3A_585 : memref<1x64x128xf32, #tpu.memory_space<vmem>> -> memref<64x128xf32, #tpu.memory_space<vmem>>
    tpu.enqueue_dma source(%dma_start3A_586 : memref<64x128xf32, #tpu.memory_space<vmem>>) target(%dma_start3A_582 : memref<64x128xf32, #tpu.memory_space<hbm>>) target_semaphore(%dma_start3A_580 : memref<!tpu.dma_semaphore, #tpu.memory_space<semaphore_mem>>)
    %dma_wait3A_587 = arith.constant 2 : i32
    %dma_wait3A_588 = arith.constant 2 : i32
    %dma_wait3A_589 = arith.constant 2 : i32
    %dma_wait3A_590 = arith.constant 0 : i32
    %dma_wait3A_591 = arith.constant 0 : i32
    %dma_wait3A_592 = tpu.memref_slice %arg6[%dma_wait3A_588, %dma_wait3A_590, %dma_wait3A_591] : memref<8x64x128xf32, #tpu.memory_space<vmem>> -> memref<1x64x128xf32, #tpu.memory_space<vmem>>
    %dma_wait3A_593 = tpu.memref_squeeze %dma_wait3A_592 : memref<1x64x128xf32, #tpu.memory_space<vmem>> -> memref<64x128xf32, #tpu.memory_space<vmem>>
    %dma_wait3A_594 = arith.constant 0 : i32
    %dma_wait3A_595 = tpu.memref_slice %arg5[%dma_wait3A_587, %dma_wait3A_594] : memref<8x64xi32, #tpu.memory_space<vmem>> -> memref<1x64xi32, #tpu.memory_space<vmem>>
    %dma_wait3A_596 = tpu.memref_squeeze %dma_wait3A_595 : memref<1x64xi32, #tpu.memory_space<vmem>> -> memref<64xi32, #tpu.memory_space<vmem>>
    %dma_wait3A_597 = arith.constant 0 : i32
    %dma_wait3A_598 = arith.constant 0 : i32
    %dma_wait3A_599 = tpu.memref_slice %arg2[%dma_wait3A_597, %dma_wait3A_598] : memref<100000x128xf32, #tpu.memory_space<hbm>> -> memref<100000x128xf32, #tpu.memory_space<hbm>>
    %dma_wait3A_600 = tpu.memref_slice %arg8[%dma_wait3A_589] : memref<8x!tpu.dma_semaphore, #tpu.memory_space<semaphore_mem>> -> memref<1x!tpu.dma_semaphore, #tpu.memory_space<semaphore_mem>>
    %dma_wait3A_601 = tpu.memref_squeeze %dma_wait3A_600 : memref<1x!tpu.dma_semaphore, #tpu.memory_space<semaphore_mem>> -> memref<!tpu.dma_semaphore, #tpu.memory_space<semaphore_mem>>
    tpu.wait_indirect_dma semaphore(%dma_wait3A_601 : memref<!tpu.dma_semaphore, #tpu.memory_space<semaphore_mem>>) src(%dma_wait3A_599 : memref<100000x128xf32, #tpu.memory_space<hbm>>) dst(%dma_wait3A_593 : memref<64x128xf32, #tpu.memory_space<vmem>>)
    %add3A_602 = arith.constant 128 : i32
    %add3A_603 = arith.addi %mul3A_520, %add3A_602 : i32
    %dma_start3A_604 = arith.constant 2 : i32
    %dma_start3A_605 = arith.constant 2 : i32
    %dma_start3A_606 = arith.constant 0 : i32
    %dma_start3A_607 = arith.constant 0 : i32
    %dma_start3A_608 = tpu.memref_slice %arg6[%dma_start3A_604, %dma_start3A_606, %dma_start3A_607] : memref<8x64x128xf32, #tpu.memory_space<vmem>> -> memref<1x64x128xf32, #tpu.memory_space<vmem>>
    %dma_start3A_609 = tpu.memref_squeeze %dma_start3A_608 : memref<1x64x128xf32, #tpu.memory_space<vmem>> -> memref<64x128xf32, #tpu.memory_space<vmem>>
    %dma_start3A_610 = arith.constant 0 : i32
    %dma_start3A_611 = tpu.memref_slice %arg4[%add3A_603, %dma_start3A_610] : memref<16384x128xf32, #tpu.memory_space<hbm>> -> memref<64x128xf32, #tpu.memory_space<hbm>>
    %dma_start3A_612 = tpu.memref_slice %arg9[%dma_start3A_605] : memref<8x!tpu.dma_semaphore, #tpu.memory_space<semaphore_mem>> -> memref<1x!tpu.dma_semaphore, #tpu.memory_space<semaphore_mem>>
    %dma_start3A_613 = tpu.memref_squeeze %dma_start3A_612 : memref<1x!tpu.dma_semaphore, #tpu.memory_space<semaphore_mem>> -> memref<!tpu.dma_semaphore, #tpu.memory_space<semaphore_mem>>
    %dma_start3A_614 = arith.constant 0 : i32
    %dma_start3A_615 = tpu.memref_slice %arg4[%add3A_603, %dma_start3A_614] : memref<16384x128xf32, #tpu.memory_space<hbm>> -> memref<64x128xf32, #tpu.memory_space<hbm>>
    %dma_start3A_616 = arith.constant 0 : i32
    %dma_start3A_617 = arith.constant 0 : i32
    %dma_start3A_618 = tpu.memref_slice %arg6[%dma_start3A_604, %dma_start3A_616, %dma_start3A_617] : memref<8x64x128xf32, #tpu.memory_space<vmem>> -> memref<1x64x128xf32, #tpu.memory_space<vmem>>
    %dma_start3A_619 = tpu.memref_squeeze %dma_start3A_618 : memref<1x64x128xf32, #tpu.memory_space<vmem>> -> memref<64x128xf32, #tpu.memory_space<vmem>>
    tpu.enqueue_dma source(%dma_start3A_619 : memref<64x128xf32, #tpu.memory_space<vmem>>) target(%dma_start3A_615 : memref<64x128xf32, #tpu.memory_space<hbm>>) target_semaphore(%dma_start3A_613 : memref<!tpu.dma_semaphore, #tpu.memory_space<semaphore_mem>>)
    %dma_wait3A_620 = arith.constant 3 : i32
    %dma_wait3A_621 = arith.constant 3 : i32
    %dma_wait3A_622 = arith.constant 3 : i32
    %dma_wait3A_623 = arith.constant 0 : i32
    %dma_wait3A_624 = arith.constant 0 : i32
    %dma_wait3A_625 = tpu.memref_slice %arg6[%dma_wait3A_621, %dma_wait3A_623, %dma_wait3A_624] : memref<8x64x128xf32, #tpu.memory_space<vmem>> -> memref<1x64x128xf32, #tpu.memory_space<vmem>>
    %dma_wait3A_626 = tpu.memref_squeeze %dma_wait3A_625 : memref<1x64x128xf32, #tpu.memory_space<vmem>> -> memref<64x128xf32, #tpu.memory_space<vmem>>
    %dma_wait3A_627 = arith.constant 0 : i32
    %dma_wait3A_628 = tpu.memref_slice %arg5[%dma_wait3A_620, %dma_wait3A_627] : memref<8x64xi32, #tpu.memory_space<vmem>> -> memref<1x64xi32, #tpu.memory_space<vmem>>
    %dma_wait3A_629 = tpu.memref_squeeze %dma_wait3A_628 : memref<1x64xi32, #tpu.memory_space<vmem>> -> memref<64xi32, #tpu.memory_space<vmem>>
    %dma_wait3A_630 = arith.constant 0 : i32
    %dma_wait3A_631 = arith.constant 0 : i32
    %dma_wait3A_632 = tpu.memref_slice %arg2[%dma_wait3A_630, %dma_wait3A_631] : memref<100000x128xf32, #tpu.memory_space<hbm>> -> memref<100000x128xf32, #tpu.memory_space<hbm>>
    %dma_wait3A_633 = tpu.memref_slice %arg8[%dma_wait3A_622] : memref<8x!tpu.dma_semaphore, #tpu.memory_space<semaphore_mem>> -> memref<1x!tpu.dma_semaphore, #tpu.memory_space<semaphore_mem>>
    %dma_wait3A_634 = tpu.memref_squeeze %dma_wait3A_633 : memref<1x!tpu.dma_semaphore, #tpu.memory_space<semaphore_mem>> -> memref<!tpu.dma_semaphore, #tpu.memory_space<semaphore_mem>>
    tpu.wait_indirect_dma semaphore(%dma_wait3A_634 : memref<!tpu.dma_semaphore, #tpu.memory_space<semaphore_mem>>) src(%dma_wait3A_632 : memref<100000x128xf32, #tpu.memory_space<hbm>>) dst(%dma_wait3A_626 : memref<64x128xf32, #tpu.memory_space<vmem>>)
    %add3A_635 = arith.constant 192 : i32
    %add3A_636 = arith.addi %mul3A_520, %add3A_635 : i32
    %dma_start3A_637 = arith.constant 3 : i32
    %dma_start3A_638 = arith.constant 3 : i32
    %dma_start3A_639 = arith.constant 0 : i32
    %dma_start3A_640 = arith.constant 0 : i32
    %dma_start3A_641 = tpu.memref_slice %arg6[%dma_start3A_637, %dma_start3A_639, %dma_start3A_640] : memref<8x64x128xf32, #tpu.memory_space<vmem>> -> memref<1x64x128xf32, #tpu.memory_space<vmem>>
    %dma_start3A_642 = tpu.memref_squeeze %dma_start3A_641 : memref<1x64x128xf32, #tpu.memory_space<vmem>> -> memref<64x128xf32, #tpu.memory_space<vmem>>
    %dma_start3A_643 = arith.constant 0 : i32
    %dma_start3A_644 = tpu.memref_slice %arg4[%add3A_636, %dma_start3A_643] : memref<16384x128xf32, #tpu.memory_space<hbm>> -> memref<64x128xf32, #tpu.memory_space<hbm>>
    %dma_start3A_645 = tpu.memref_slice %arg9[%dma_start3A_638] : memref<8x!tpu.dma_semaphore, #tpu.memory_space<semaphore_mem>> -> memref<1x!tpu.dma_semaphore, #tpu.memory_space<semaphore_mem>>
    %dma_start3A_646 = tpu.memref_squeeze %dma_start3A_645 : memref<1x!tpu.dma_semaphore, #tpu.memory_space<semaphore_mem>> -> memref<!tpu.dma_semaphore, #tpu.memory_space<semaphore_mem>>
    %dma_start3A_647 = arith.constant 0 : i32
    %dma_start3A_648 = tpu.memref_slice %arg4[%add3A_636, %dma_start3A_647] : memref<16384x128xf32, #tpu.memory_space<hbm>> -> memref<64x128xf32, #tpu.memory_space<hbm>>
    %dma_start3A_649 = arith.constant 0 : i32
    %dma_start3A_650 = arith.constant 0 : i32
    %dma_start3A_651 = tpu.memref_slice %arg6[%dma_start3A_637, %dma_start3A_649, %dma_start3A_650] : memref<8x64x128xf32, #tpu.memory_space<vmem>> -> memref<1x64x128xf32, #tpu.memory_space<vmem>>
    %dma_start3A_652 = tpu.memref_squeeze %dma_start3A_651 : memref<1x64x128xf32, #tpu.memory_space<vmem>> -> memref<64x128xf32, #tpu.memory_space<vmem>>
    tpu.enqueue_dma source(%dma_start3A_652 : memref<64x128xf32, #tpu.memory_space<vmem>>) target(%dma_start3A_648 : memref<64x128xf32, #tpu.memory_space<hbm>>) target_semaphore(%dma_start3A_646 : memref<!tpu.dma_semaphore, #tpu.memory_space<semaphore_mem>>)
    %dma_wait3A_653 = arith.constant 4 : i32
    %dma_wait3A_654 = arith.constant 4 : i32
    %dma_wait3A_655 = arith.constant 4 : i32
    %dma_wait3A_656 = arith.constant 0 : i32
    %dma_wait3A_657 = arith.constant 0 : i32
    %dma_wait3A_658 = tpu.memref_slice %arg6[%dma_wait3A_654, %dma_wait3A_656, %dma_wait3A_657] : memref<8x64x128xf32, #tpu.memory_space<vmem>> -> memref<1x64x128xf32, #tpu.memory_space<vmem>>
    %dma_wait3A_659 = tpu.memref_squeeze %dma_wait3A_658 : memref<1x64x128xf32, #tpu.memory_space<vmem>> -> memref<64x128xf32, #tpu.memory_space<vmem>>
    %dma_wait3A_660 = arith.constant 0 : i32
    %dma_wait3A_661 = tpu.memref_slice %arg5[%dma_wait3A_653, %dma_wait3A_660] : memref<8x64xi32, #tpu.memory_space<vmem>> -> memref<1x64xi32, #tpu.memory_space<vmem>>
    %dma_wait3A_662 = tpu.memref_squeeze %dma_wait3A_661 : memref<1x64xi32, #tpu.memory_space<vmem>> -> memref<64xi32, #tpu.memory_space<vmem>>
    %dma_wait3A_663 = arith.constant 0 : i32
    %dma_wait3A_664 = arith.constant 0 : i32
    %dma_wait3A_665 = tpu.memref_slice %arg2[%dma_wait3A_663, %dma_wait3A_664] : memref<100000x128xf32, #tpu.memory_space<hbm>> -> memref<100000x128xf32, #tpu.memory_space<hbm>>
    %dma_wait3A_666 = tpu.memref_slice %arg8[%dma_wait3A_655] : memref<8x!tpu.dma_semaphore, #tpu.memory_space<semaphore_mem>> -> memref<1x!tpu.dma_semaphore, #tpu.memory_space<semaphore_mem>>
    %dma_wait3A_667 = tpu.memref_squeeze %dma_wait3A_666 : memref<1x!tpu.dma_semaphore, #tpu.memory_space<semaphore_mem>> -> memref<!tpu.dma_semaphore, #tpu.memory_space<semaphore_mem>>
    tpu.wait_indirect_dma semaphore(%dma_wait3A_667 : memref<!tpu.dma_semaphore, #tpu.memory_space<semaphore_mem>>) src(%dma_wait3A_665 : memref<100000x128xf32, #tpu.memory_space<hbm>>) dst(%dma_wait3A_659 : memref<64x128xf32, #tpu.memory_space<vmem>>)
    %add3A_668 = arith.constant 256 : i32
    %add3A_669 = arith.addi %mul3A_520, %add3A_668 : i32
    %dma_start3A_670 = arith.constant 4 : i32
    %dma_start3A_671 = arith.constant 4 : i32
    %dma_start3A_672 = arith.constant 0 : i32
    %dma_start3A_673 = arith.constant 0 : i32
    %dma_start3A_674 = tpu.memref_slice %arg6[%dma_start3A_670, %dma_start3A_672, %dma_start3A_673] : memref<8x64x128xf32, #tpu.memory_space<vmem>> -> memref<1x64x128xf32, #tpu.memory_space<vmem>>
    %dma_start3A_675 = tpu.memref_squeeze %dma_start3A_674 : memref<1x64x128xf32, #tpu.memory_space<vmem>> -> memref<64x128xf32, #tpu.memory_space<vmem>>
    %dma_start3A_676 = arith.constant 0 : i32
    %dma_start3A_677 = tpu.memref_slice %arg4[%add3A_669, %dma_start3A_676] : memref<16384x128xf32, #tpu.memory_space<hbm>> -> memref<64x128xf32, #tpu.memory_space<hbm>>
    %dma_start3A_678 = tpu.memref_slice %arg9[%dma_start3A_671] : memref<8x!tpu.dma_semaphore, #tpu.memory_space<semaphore_mem>> -> memref<1x!tpu.dma_semaphore, #tpu.memory_space<semaphore_mem>>
    %dma_start3A_679 = tpu.memref_squeeze %dma_start3A_678 : memref<1x!tpu.dma_semaphore, #tpu.memory_space<semaphore_mem>> -> memref<!tpu.dma_semaphore, #tpu.memory_space<semaphore_mem>>
    %dma_start3A_680 = arith.constant 0 : i32
    %dma_start3A_681 = tpu.memref_slice %arg4[%add3A_669, %dma_start3A_680] : memref<16384x128xf32, #tpu.memory_space<hbm>> -> memref<64x128xf32, #tpu.memory_space<hbm>>
    %dma_start3A_682 = arith.constant 0 : i32
    %dma_start3A_683 = arith.constant 0 : i32
    %dma_start3A_684 = tpu.memref_slice %arg6[%dma_start3A_670, %dma_start3A_682, %dma_start3A_683] : memref<8x64x128xf32, #tpu.memory_space<vmem>> -> memref<1x64x128xf32, #tpu.memory_space<vmem>>
    %dma_start3A_685 = tpu.memref_squeeze %dma_start3A_684 : memref<1x64x128xf32, #tpu.memory_space<vmem>> -> memref<64x128xf32, #tpu.memory_space<vmem>>
    tpu.enqueue_dma source(%dma_start3A_685 : memref<64x128xf32, #tpu.memory_space<vmem>>) target(%dma_start3A_681 : memref<64x128xf32, #tpu.memory_space<hbm>>) target_semaphore(%dma_start3A_679 : memref<!tpu.dma_semaphore, #tpu.memory_space<semaphore_mem>>)
    %dma_wait3A_686 = arith.constant 5 : i32
    %dma_wait3A_687 = arith.constant 5 : i32
    %dma_wait3A_688 = arith.constant 5 : i32
    %dma_wait3A_689 = arith.constant 0 : i32
    %dma_wait3A_690 = arith.constant 0 : i32
    %dma_wait3A_691 = tpu.memref_slice %arg6[%dma_wait3A_687, %dma_wait3A_689, %dma_wait3A_690] : memref<8x64x128xf32, #tpu.memory_space<vmem>> -> memref<1x64x128xf32, #tpu.memory_space<vmem>>
    %dma_wait3A_692 = tpu.memref_squeeze %dma_wait3A_691 : memref<1x64x128xf32, #tpu.memory_space<vmem>> -> memref<64x128xf32, #tpu.memory_space<vmem>>
    %dma_wait3A_693 = arith.constant 0 : i32
    %dma_wait3A_694 = tpu.memref_slice %arg5[%dma_wait3A_686, %dma_wait3A_693] : memref<8x64xi32, #tpu.memory_space<vmem>> -> memref<1x64xi32, #tpu.memory_space<vmem>>
    %dma_wait3A_695 = tpu.memref_squeeze %dma_wait3A_694 : memref<1x64xi32, #tpu.memory_space<vmem>> -> memref<64xi32, #tpu.memory_space<vmem>>
    %dma_wait3A_696 = arith.constant 0 : i32
    %dma_wait3A_697 = arith.constant 0 : i32
    %dma_wait3A_698 = tpu.memref_slice %arg2[%dma_wait3A_696, %dma_wait3A_697] : memref<100000x128xf32, #tpu.memory_space<hbm>> -> memref<100000x128xf32, #tpu.memory_space<hbm>>
    %dma_wait3A_699 = tpu.memref_slice %arg8[%dma_wait3A_688] : memref<8x!tpu.dma_semaphore, #tpu.memory_space<semaphore_mem>> -> memref<1x!tpu.dma_semaphore, #tpu.memory_space<semaphore_mem>>
    %dma_wait3A_700 = tpu.memref_squeeze %dma_wait3A_699 : memref<1x!tpu.dma_semaphore, #tpu.memory_space<semaphore_mem>> -> memref<!tpu.dma_semaphore, #tpu.memory_space<semaphore_mem>>
    tpu.wait_indirect_dma semaphore(%dma_wait3A_700 : memref<!tpu.dma_semaphore, #tpu.memory_space<semaphore_mem>>) src(%dma_wait3A_698 : memref<100000x128xf32, #tpu.memory_space<hbm>>) dst(%dma_wait3A_692 : memref<64x128xf32, #tpu.memory_space<vmem>>)
    %add3A_701 = arith.constant 320 : i32
    %add3A_702 = arith.addi %mul3A_520, %add3A_701 : i32
    %dma_start3A_703 = arith.constant 5 : i32
    %dma_start3A_704 = arith.constant 5 : i32
    %dma_start3A_705 = arith.constant 0 : i32
    %dma_start3A_706 = arith.constant 0 : i32
    %dma_start3A_707 = tpu.memref_slice %arg6[%dma_start3A_703, %dma_start3A_705, %dma_start3A_706] : memref<8x64x128xf32, #tpu.memory_space<vmem>> -> memref<1x64x128xf32, #tpu.memory_space<vmem>>
    %dma_start3A_708 = tpu.memref_squeeze %dma_start3A_707 : memref<1x64x128xf32, #tpu.memory_space<vmem>> -> memref<64x128xf32, #tpu.memory_space<vmem>>
    %dma_start3A_709 = arith.constant 0 : i32
    %dma_start3A_710 = tpu.memref_slice %arg4[%add3A_702, %dma_start3A_709] : memref<16384x128xf32, #tpu.memory_space<hbm>> -> memref<64x128xf32, #tpu.memory_space<hbm>>
    %dma_start3A_711 = tpu.memref_slice %arg9[%dma_start3A_704] : memref<8x!tpu.dma_semaphore, #tpu.memory_space<semaphore_mem>> -> memref<1x!tpu.dma_semaphore, #tpu.memory_space<semaphore_mem>>
    %dma_start3A_712 = tpu.memref_squeeze %dma_start3A_711 : memref<1x!tpu.dma_semaphore, #tpu.memory_space<semaphore_mem>> -> memref<!tpu.dma_semaphore, #tpu.memory_space<semaphore_mem>>
    %dma_start3A_713 = arith.constant 0 : i32
    %dma_start3A_714 = tpu.memref_slice %arg4[%add3A_702, %dma_start3A_713] : memref<16384x128xf32, #tpu.memory_space<hbm>> -> memref<64x128xf32, #tpu.memory_space<hbm>>
    %dma_start3A_715 = arith.constant 0 : i32
    %dma_start3A_716 = arith.constant 0 : i32
    %dma_start3A_717 = tpu.memref_slice %arg6[%dma_start3A_703, %dma_start3A_715, %dma_start3A_716] : memref<8x64x128xf32, #tpu.memory_space<vmem>> -> memref<1x64x128xf32, #tpu.memory_space<vmem>>
    %dma_start3A_718 = tpu.memref_squeeze %dma_start3A_717 : memref<1x64x128xf32, #tpu.memory_space<vmem>> -> memref<64x128xf32, #tpu.memory_space<vmem>>
    tpu.enqueue_dma source(%dma_start3A_718 : memref<64x128xf32, #tpu.memory_space<vmem>>) target(%dma_start3A_714 : memref<64x128xf32, #tpu.memory_space<hbm>>) target_semaphore(%dma_start3A_712 : memref<!tpu.dma_semaphore, #tpu.memory_space<semaphore_mem>>)
    %dma_wait3A_719 = arith.constant 6 : i32
    %dma_wait3A_720 = arith.constant 6 : i32
    %dma_wait3A_721 = arith.constant 6 : i32
    %dma_wait3A_722 = arith.constant 0 : i32
    %dma_wait3A_723 = arith.constant 0 : i32
    %dma_wait3A_724 = tpu.memref_slice %arg6[%dma_wait3A_720, %dma_wait3A_722, %dma_wait3A_723] : memref<8x64x128xf32, #tpu.memory_space<vmem>> -> memref<1x64x128xf32, #tpu.memory_space<vmem>>
    %dma_wait3A_725 = tpu.memref_squeeze %dma_wait3A_724 : memref<1x64x128xf32, #tpu.memory_space<vmem>> -> memref<64x128xf32, #tpu.memory_space<vmem>>
    %dma_wait3A_726 = arith.constant 0 : i32
    %dma_wait3A_727 = tpu.memref_slice %arg5[%dma_wait3A_719, %dma_wait3A_726] : memref<8x64xi32, #tpu.memory_space<vmem>> -> memref<1x64xi32, #tpu.memory_space<vmem>>
    %dma_wait3A_728 = tpu.memref_squeeze %dma_wait3A_727 : memref<1x64xi32, #tpu.memory_space<vmem>> -> memref<64xi32, #tpu.memory_space<vmem>>
    %dma_wait3A_729 = arith.constant 0 : i32
    %dma_wait3A_730 = arith.constant 0 : i32
    %dma_wait3A_731 = tpu.memref_slice %arg2[%dma_wait3A_729, %dma_wait3A_730] : memref<100000x128xf32, #tpu.memory_space<hbm>> -> memref<100000x128xf32, #tpu.memory_space<hbm>>
    %dma_wait3A_732 = tpu.memref_slice %arg8[%dma_wait3A_721] : memref<8x!tpu.dma_semaphore, #tpu.memory_space<semaphore_mem>> -> memref<1x!tpu.dma_semaphore, #tpu.memory_space<semaphore_mem>>
    %dma_wait3A_733 = tpu.memref_squeeze %dma_wait3A_732 : memref<1x!tpu.dma_semaphore, #tpu.memory_space<semaphore_mem>> -> memref<!tpu.dma_semaphore, #tpu.memory_space<semaphore_mem>>
    tpu.wait_indirect_dma semaphore(%dma_wait3A_733 : memref<!tpu.dma_semaphore, #tpu.memory_space<semaphore_mem>>) src(%dma_wait3A_731 : memref<100000x128xf32, #tpu.memory_space<hbm>>) dst(%dma_wait3A_725 : memref<64x128xf32, #tpu.memory_space<vmem>>)
    %add3A_734 = arith.constant 384 : i32
    %add3A_735 = arith.addi %mul3A_520, %add3A_734 : i32
    %dma_start3A_736 = arith.constant 6 : i32
    %dma_start3A_737 = arith.constant 6 : i32
    %dma_start3A_738 = arith.constant 0 : i32
    %dma_start3A_739 = arith.constant 0 : i32
    %dma_start3A_740 = tpu.memref_slice %arg6[%dma_start3A_736, %dma_start3A_738, %dma_start3A_739] : memref<8x64x128xf32, #tpu.memory_space<vmem>> -> memref<1x64x128xf32, #tpu.memory_space<vmem>>
    %dma_start3A_741 = tpu.memref_squeeze %dma_start3A_740 : memref<1x64x128xf32, #tpu.memory_space<vmem>> -> memref<64x128xf32, #tpu.memory_space<vmem>>
    %dma_start3A_742 = arith.constant 0 : i32
    %dma_start3A_743 = tpu.memref_slice %arg4[%add3A_735, %dma_start3A_742] : memref<16384x128xf32, #tpu.memory_space<hbm>> -> memref<64x128xf32, #tpu.memory_space<hbm>>
    %dma_start3A_744 = tpu.memref_slice %arg9[%dma_start3A_737] : memref<8x!tpu.dma_semaphore, #tpu.memory_space<semaphore_mem>> -> memref<1x!tpu.dma_semaphore, #tpu.memory_space<semaphore_mem>>
    %dma_start3A_745 = tpu.memref_squeeze %dma_start3A_744 : memref<1x!tpu.dma_semaphore, #tpu.memory_space<semaphore_mem>> -> memref<!tpu.dma_semaphore, #tpu.memory_space<semaphore_mem>>
    %dma_start3A_746 = arith.constant 0 : i32
    %dma_start3A_747 = tpu.memref_slice %arg4[%add3A_735, %dma_start3A_746] : memref<16384x128xf32, #tpu.memory_space<hbm>> -> memref<64x128xf32, #tpu.memory_space<hbm>>
    %dma_start3A_748 = arith.constant 0 : i32
    %dma_start3A_749 = arith.constant 0 : i32
    %dma_start3A_750 = tpu.memref_slice %arg6[%dma_start3A_736, %dma_start3A_748, %dma_start3A_749] : memref<8x64x128xf32, #tpu.memory_space<vmem>> -> memref<1x64x128xf32, #tpu.memory_space<vmem>>
    %dma_start3A_751 = tpu.memref_squeeze %dma_start3A_750 : memref<1x64x128xf32, #tpu.memory_space<vmem>> -> memref<64x128xf32, #tpu.memory_space<vmem>>
    tpu.enqueue_dma source(%dma_start3A_751 : memref<64x128xf32, #tpu.memory_space<vmem>>) target(%dma_start3A_747 : memref<64x128xf32, #tpu.memory_space<hbm>>) target_semaphore(%dma_start3A_745 : memref<!tpu.dma_semaphore, #tpu.memory_space<semaphore_mem>>)
    %dma_wait3A_752 = arith.constant 7 : i32
    %dma_wait3A_753 = arith.constant 7 : i32
    %dma_wait3A_754 = arith.constant 7 : i32
    %dma_wait3A_755 = arith.constant 0 : i32
    %dma_wait3A_756 = arith.constant 0 : i32
    %dma_wait3A_757 = tpu.memref_slice %arg6[%dma_wait3A_753, %dma_wait3A_755, %dma_wait3A_756] : memref<8x64x128xf32, #tpu.memory_space<vmem>> -> memref<1x64x128xf32, #tpu.memory_space<vmem>>
    %dma_wait3A_758 = tpu.memref_squeeze %dma_wait3A_757 : memref<1x64x128xf32, #tpu.memory_space<vmem>> -> memref<64x128xf32, #tpu.memory_space<vmem>>
    %dma_wait3A_759 = arith.constant 0 : i32
    %dma_wait3A_760 = tpu.memref_slice %arg5[%dma_wait3A_752, %dma_wait3A_759] : memref<8x64xi32, #tpu.memory_space<vmem>> -> memref<1x64xi32, #tpu.memory_space<vmem>>
    %dma_wait3A_761 = tpu.memref_squeeze %dma_wait3A_760 : memref<1x64xi32, #tpu.memory_space<vmem>> -> memref<64xi32, #tpu.memory_space<vmem>>
    %dma_wait3A_762 = arith.constant 0 : i32
    %dma_wait3A_763 = arith.constant 0 : i32
    %dma_wait3A_764 = tpu.memref_slice %arg2[%dma_wait3A_762, %dma_wait3A_763] : memref<100000x128xf32, #tpu.memory_space<hbm>> -> memref<100000x128xf32, #tpu.memory_space<hbm>>
    %dma_wait3A_765 = tpu.memref_slice %arg8[%dma_wait3A_754] : memref<8x!tpu.dma_semaphore, #tpu.memory_space<semaphore_mem>> -> memref<1x!tpu.dma_semaphore, #tpu.memory_space<semaphore_mem>>
    %dma_wait3A_766 = tpu.memref_squeeze %dma_wait3A_765 : memref<1x!tpu.dma_semaphore, #tpu.memory_space<semaphore_mem>> -> memref<!tpu.dma_semaphore, #tpu.memory_space<semaphore_mem>>
    tpu.wait_indirect_dma semaphore(%dma_wait3A_766 : memref<!tpu.dma_semaphore, #tpu.memory_space<semaphore_mem>>) src(%dma_wait3A_764 : memref<100000x128xf32, #tpu.memory_space<hbm>>) dst(%dma_wait3A_758 : memref<64x128xf32, #tpu.memory_space<vmem>>)
    %add3A_767 = arith.constant 448 : i32
    %add3A_768 = arith.addi %mul3A_520, %add3A_767 : i32
    %dma_start3A_769 = arith.constant 7 : i32
    %dma_start3A_770 = arith.constant 7 : i32
    %dma_start3A_771 = arith.constant 0 : i32
    %dma_start3A_772 = arith.constant 0 : i32
    %dma_start3A_773 = tpu.memref_slice %arg6[%dma_start3A_769, %dma_start3A_771, %dma_start3A_772] : memref<8x64x128xf32, #tpu.memory_space<vmem>> -> memref<1x64x128xf32, #tpu.memory_space<vmem>>
    %dma_start3A_774 = tpu.memref_squeeze %dma_start3A_773 : memref<1x64x128xf32, #tpu.memory_space<vmem>> -> memref<64x128xf32, #tpu.memory_space<vmem>>
    %dma_start3A_775 = arith.constant 0 : i32
    %dma_start3A_776 = tpu.memref_slice %arg4[%add3A_768, %dma_start3A_775] : memref<16384x128xf32, #tpu.memory_space<hbm>> -> memref<64x128xf32, #tpu.memory_space<hbm>>
    %dma_start3A_777 = tpu.memref_slice %arg9[%dma_start3A_770] : memref<8x!tpu.dma_semaphore, #tpu.memory_space<semaphore_mem>> -> memref<1x!tpu.dma_semaphore, #tpu.memory_space<semaphore_mem>>
    %dma_start3A_778 = tpu.memref_squeeze %dma_start3A_777 : memref<1x!tpu.dma_semaphore, #tpu.memory_space<semaphore_mem>> -> memref<!tpu.dma_semaphore, #tpu.memory_space<semaphore_mem>>
    %dma_start3A_779 = arith.constant 0 : i32
    %dma_start3A_780 = tpu.memref_slice %arg4[%add3A_768, %dma_start3A_779] : memref<16384x128xf32, #tpu.memory_space<hbm>> -> memref<64x128xf32, #tpu.memory_space<hbm>>
    %dma_start3A_781 = arith.constant 0 : i32
    %dma_start3A_782 = arith.constant 0 : i32
    %dma_start3A_783 = tpu.memref_slice %arg6[%dma_start3A_769, %dma_start3A_781, %dma_start3A_782] : memref<8x64x128xf32, #tpu.memory_space<vmem>> -> memref<1x64x128xf32, #tpu.memory_space<vmem>>
    %dma_start3A_784 = tpu.memref_squeeze %dma_start3A_783 : memref<1x64x128xf32, #tpu.memory_space<vmem>> -> memref<64x128xf32, #tpu.memory_space<vmem>>
    tpu.enqueue_dma source(%dma_start3A_784 : memref<64x128xf32, #tpu.memory_space<vmem>>) target(%dma_start3A_780 : memref<64x128xf32, #tpu.memory_space<hbm>>) target_semaphore(%dma_start3A_778 : memref<!tpu.dma_semaphore, #tpu.memory_space<semaphore_mem>>)
    %dma_wait3A_785 = arith.constant 0 : i32
    %dma_wait3A_786 = arith.constant 0 : i32
    %dma_wait3A_787 = arith.constant 0 : i32
    %dma_wait3A_788 = arith.constant 0 : i32
    %dma_wait3A_789 = tpu.memref_slice %arg6[%dma_wait3A_785, %dma_wait3A_787, %dma_wait3A_788] : memref<8x64x128xf32, #tpu.memory_space<vmem>> -> memref<1x64x128xf32, #tpu.memory_space<vmem>>
    %dma_wait3A_790 = tpu.memref_squeeze %dma_wait3A_789 : memref<1x64x128xf32, #tpu.memory_space<vmem>> -> memref<64x128xf32, #tpu.memory_space<vmem>>
    %dma_wait3A_791 = arith.constant 0 : i32
    %dma_wait3A_792 = tpu.memref_slice %arg4[%add3A_537, %dma_wait3A_791] : memref<16384x128xf32, #tpu.memory_space<hbm>> -> memref<64x128xf32, #tpu.memory_space<hbm>>
    %dma_wait3A_793 = tpu.memref_slice %arg9[%dma_wait3A_786] : memref<8x!tpu.dma_semaphore, #tpu.memory_space<semaphore_mem>> -> memref<1x!tpu.dma_semaphore, #tpu.memory_space<semaphore_mem>>
    %dma_wait3A_794 = tpu.memref_squeeze %dma_wait3A_793 : memref<1x!tpu.dma_semaphore, #tpu.memory_space<semaphore_mem>> -> memref<!tpu.dma_semaphore, #tpu.memory_space<semaphore_mem>>
    %dma_wait3A_795 = arith.constant 0 : i32
    %dma_wait3A_796 = tpu.memref_slice %arg4[%add3A_537, %dma_wait3A_795] : memref<16384x128xf32, #tpu.memory_space<hbm>> -> memref<64x128xf32, #tpu.memory_space<hbm>>
    %dma_wait3A_797 = arith.constant 0 : i32
    %dma_wait3A_798 = arith.constant 0 : i32
    %dma_wait3A_799 = tpu.memref_slice %arg6[%dma_wait3A_785, %dma_wait3A_797, %dma_wait3A_798] : memref<8x64x128xf32, #tpu.memory_space<vmem>> -> memref<1x64x128xf32, #tpu.memory_space<vmem>>
    %dma_wait3A_800 = tpu.memref_squeeze %dma_wait3A_799 : memref<1x64x128xf32, #tpu.memory_space<vmem>> -> memref<64x128xf32, #tpu.memory_space<vmem>>
    tpu.wait_dma2 semaphore(%dma_wait3A_794 : memref<!tpu.dma_semaphore, #tpu.memory_space<semaphore_mem>>) src(%dma_wait3A_800 : memref<64x128xf32, #tpu.memory_space<vmem>>) dst(%dma_wait3A_796 : memref<64x128xf32, #tpu.memory_space<hbm>>)
    %dma_wait3A_801 = arith.constant 1 : i32
    %dma_wait3A_802 = arith.constant 1 : i32
    %dma_wait3A_803 = arith.constant 0 : i32
    %dma_wait3A_804 = arith.constant 0 : i32
    %dma_wait3A_805 = tpu.memref_slice %arg6[%dma_wait3A_801, %dma_wait3A_803, %dma_wait3A_804] : memref<8x64x128xf32, #tpu.memory_space<vmem>> -> memref<1x64x128xf32, #tpu.memory_space<vmem>>
    %dma_wait3A_806 = tpu.memref_squeeze %dma_wait3A_805 : memref<1x64x128xf32, #tpu.memory_space<vmem>> -> memref<64x128xf32, #tpu.memory_space<vmem>>
    %dma_wait3A_807 = arith.constant 0 : i32
    %dma_wait3A_808 = tpu.memref_slice %arg4[%add3A_570, %dma_wait3A_807] : memref<16384x128xf32, #tpu.memory_space<hbm>> -> memref<64x128xf32, #tpu.memory_space<hbm>>
    %dma_wait3A_809 = tpu.memref_slice %arg9[%dma_wait3A_802] : memref<8x!tpu.dma_semaphore, #tpu.memory_space<semaphore_mem>> -> memref<1x!tpu.dma_semaphore, #tpu.memory_space<semaphore_mem>>
    %dma_wait3A_810 = tpu.memref_squeeze %dma_wait3A_809 : memref<1x!tpu.dma_semaphore, #tpu.memory_space<semaphore_mem>> -> memref<!tpu.dma_semaphore, #tpu.memory_space<semaphore_mem>>
    %dma_wait3A_811 = arith.constant 0 : i32
    %dma_wait3A_812 = tpu.memref_slice %arg4[%add3A_570, %dma_wait3A_811] : memref<16384x128xf32, #tpu.memory_space<hbm>> -> memref<64x128xf32, #tpu.memory_space<hbm>>
    %dma_wait3A_813 = arith.constant 0 : i32
    %dma_wait3A_814 = arith.constant 0 : i32
    %dma_wait3A_815 = tpu.memref_slice %arg6[%dma_wait3A_801, %dma_wait3A_813, %dma_wait3A_814] : memref<8x64x128xf32, #tpu.memory_space<vmem>> -> memref<1x64x128xf32, #tpu.memory_space<vmem>>
    %dma_wait3A_816 = tpu.memref_squeeze %dma_wait3A_815 : memref<1x64x128xf32, #tpu.memory_space<vmem>> -> memref<64x128xf32, #tpu.memory_space<vmem>>
    tpu.wait_dma2 semaphore(%dma_wait3A_810 : memref<!tpu.dma_semaphore, #tpu.memory_space<semaphore_mem>>) src(%dma_wait3A_816 : memref<64x128xf32, #tpu.memory_space<vmem>>) dst(%dma_wait3A_812 : memref<64x128xf32, #tpu.memory_space<hbm>>)
    %dma_wait3A_817 = arith.constant 2 : i32
    %dma_wait3A_818 = arith.constant 2 : i32
    %dma_wait3A_819 = arith.constant 0 : i32
    %dma_wait3A_820 = arith.constant 0 : i32
    %dma_wait3A_821 = tpu.memref_slice %arg6[%dma_wait3A_817, %dma_wait3A_819, %dma_wait3A_820] : memref<8x64x128xf32, #tpu.memory_space<vmem>> -> memref<1x64x128xf32, #tpu.memory_space<vmem>>
    %dma_wait3A_822 = tpu.memref_squeeze %dma_wait3A_821 : memref<1x64x128xf32, #tpu.memory_space<vmem>> -> memref<64x128xf32, #tpu.memory_space<vmem>>
    %dma_wait3A_823 = arith.constant 0 : i32
    %dma_wait3A_824 = tpu.memref_slice %arg4[%add3A_603, %dma_wait3A_823] : memref<16384x128xf32, #tpu.memory_space<hbm>> -> memref<64x128xf32, #tpu.memory_space<hbm>>
    %dma_wait3A_825 = tpu.memref_slice %arg9[%dma_wait3A_818] : memref<8x!tpu.dma_semaphore, #tpu.memory_space<semaphore_mem>> -> memref<1x!tpu.dma_semaphore, #tpu.memory_space<semaphore_mem>>
    %dma_wait3A_826 = tpu.memref_squeeze %dma_wait3A_825 : memref<1x!tpu.dma_semaphore, #tpu.memory_space<semaphore_mem>> -> memref<!tpu.dma_semaphore, #tpu.memory_space<semaphore_mem>>
    %dma_wait3A_827 = arith.constant 0 : i32
    %dma_wait3A_828 = tpu.memref_slice %arg4[%add3A_603, %dma_wait3A_827] : memref<16384x128xf32, #tpu.memory_space<hbm>> -> memref<64x128xf32, #tpu.memory_space<hbm>>
    %dma_wait3A_829 = arith.constant 0 : i32
    %dma_wait3A_830 = arith.constant 0 : i32
    %dma_wait3A_831 = tpu.memref_slice %arg6[%dma_wait3A_817, %dma_wait3A_829, %dma_wait3A_830] : memref<8x64x128xf32, #tpu.memory_space<vmem>> -> memref<1x64x128xf32, #tpu.memory_space<vmem>>
    %dma_wait3A_832 = tpu.memref_squeeze %dma_wait3A_831 : memref<1x64x128xf32, #tpu.memory_space<vmem>> -> memref<64x128xf32, #tpu.memory_space<vmem>>
    tpu.wait_dma2 semaphore(%dma_wait3A_826 : memref<!tpu.dma_semaphore, #tpu.memory_space<semaphore_mem>>) src(%dma_wait3A_832 : memref<64x128xf32, #tpu.memory_space<vmem>>) dst(%dma_wait3A_828 : memref<64x128xf32, #tpu.memory_space<hbm>>)
    %dma_wait3A_833 = arith.constant 3 : i32
    %dma_wait3A_834 = arith.constant 3 : i32
    %dma_wait3A_835 = arith.constant 0 : i32
    %dma_wait3A_836 = arith.constant 0 : i32
    %dma_wait3A_837 = tpu.memref_slice %arg6[%dma_wait3A_833, %dma_wait3A_835, %dma_wait3A_836] : memref<8x64x128xf32, #tpu.memory_space<vmem>> -> memref<1x64x128xf32, #tpu.memory_space<vmem>>
    %dma_wait3A_838 = tpu.memref_squeeze %dma_wait3A_837 : memref<1x64x128xf32, #tpu.memory_space<vmem>> -> memref<64x128xf32, #tpu.memory_space<vmem>>
    %dma_wait3A_839 = arith.constant 0 : i32
    %dma_wait3A_840 = tpu.memref_slice %arg4[%add3A_636, %dma_wait3A_839] : memref<16384x128xf32, #tpu.memory_space<hbm>> -> memref<64x128xf32, #tpu.memory_space<hbm>>
    %dma_wait3A_841 = tpu.memref_slice %arg9[%dma_wait3A_834] : memref<8x!tpu.dma_semaphore, #tpu.memory_space<semaphore_mem>> -> memref<1x!tpu.dma_semaphore, #tpu.memory_space<semaphore_mem>>
    %dma_wait3A_842 = tpu.memref_squeeze %dma_wait3A_841 : memref<1x!tpu.dma_semaphore, #tpu.memory_space<semaphore_mem>> -> memref<!tpu.dma_semaphore, #tpu.memory_space<semaphore_mem>>
    %dma_wait3A_843 = arith.constant 0 : i32
    %dma_wait3A_844 = tpu.memref_slice %arg4[%add3A_636, %dma_wait3A_843] : memref<16384x128xf32, #tpu.memory_space<hbm>> -> memref<64x128xf32, #tpu.memory_space<hbm>>
    %dma_wait3A_845 = arith.constant 0 : i32
    %dma_wait3A_846 = arith.constant 0 : i32
    %dma_wait3A_847 = tpu.memref_slice %arg6[%dma_wait3A_833, %dma_wait3A_845, %dma_wait3A_846] : memref<8x64x128xf32, #tpu.memory_space<vmem>> -> memref<1x64x128xf32, #tpu.memory_space<vmem>>
    %dma_wait3A_848 = tpu.memref_squeeze %dma_wait3A_847 : memref<1x64x128xf32, #tpu.memory_space<vmem>> -> memref<64x128xf32, #tpu.memory_space<vmem>>
    tpu.wait_dma2 semaphore(%dma_wait3A_842 : memref<!tpu.dma_semaphore, #tpu.memory_space<semaphore_mem>>) src(%dma_wait3A_848 : memref<64x128xf32, #tpu.memory_space<vmem>>) dst(%dma_wait3A_844 : memref<64x128xf32, #tpu.memory_space<hbm>>)
    %dma_wait3A_849 = arith.constant 4 : i32
    %dma_wait3A_850 = arith.constant 4 : i32
    %dma_wait3A_851 = arith.constant 0 : i32
    %dma_wait3A_852 = arith.constant 0 : i32
    %dma_wait3A_853 = tpu.memref_slice %arg6[%dma_wait3A_849, %dma_wait3A_851, %dma_wait3A_852] : memref<8x64x128xf32, #tpu.memory_space<vmem>> -> memref<1x64x128xf32, #tpu.memory_space<vmem>>
    %dma_wait3A_854 = tpu.memref_squeeze %dma_wait3A_853 : memref<1x64x128xf32, #tpu.memory_space<vmem>> -> memref<64x128xf32, #tpu.memory_space<vmem>>
    %dma_wait3A_855 = arith.constant 0 : i32
    %dma_wait3A_856 = tpu.memref_slice %arg4[%add3A_669, %dma_wait3A_855] : memref<16384x128xf32, #tpu.memory_space<hbm>> -> memref<64x128xf32, #tpu.memory_space<hbm>>
    %dma_wait3A_857 = tpu.memref_slice %arg9[%dma_wait3A_850] : memref<8x!tpu.dma_semaphore, #tpu.memory_space<semaphore_mem>> -> memref<1x!tpu.dma_semaphore, #tpu.memory_space<semaphore_mem>>
    %dma_wait3A_858 = tpu.memref_squeeze %dma_wait3A_857 : memref<1x!tpu.dma_semaphore, #tpu.memory_space<semaphore_mem>> -> memref<!tpu.dma_semaphore, #tpu.memory_space<semaphore_mem>>
    %dma_wait3A_859 = arith.constant 0 : i32
    %dma_wait3A_860 = tpu.memref_slice %arg4[%add3A_669, %dma_wait3A_859] : memref<16384x128xf32, #tpu.memory_space<hbm>> -> memref<64x128xf32, #tpu.memory_space<hbm>>
    %dma_wait3A_861 = arith.constant 0 : i32
    %dma_wait3A_862 = arith.constant 0 : i32
    %dma_wait3A_863 = tpu.memref_slice %arg6[%dma_wait3A_849, %dma_wait3A_861, %dma_wait3A_862] : memref<8x64x128xf32, #tpu.memory_space<vmem>> -> memref<1x64x128xf32, #tpu.memory_space<vmem>>
    %dma_wait3A_864 = tpu.memref_squeeze %dma_wait3A_863 : memref<1x64x128xf32, #tpu.memory_space<vmem>> -> memref<64x128xf32, #tpu.memory_space<vmem>>
    tpu.wait_dma2 semaphore(%dma_wait3A_858 : memref<!tpu.dma_semaphore, #tpu.memory_space<semaphore_mem>>) src(%dma_wait3A_864 : memref<64x128xf32, #tpu.memory_space<vmem>>) dst(%dma_wait3A_860 : memref<64x128xf32, #tpu.memory_space<hbm>>)
    %dma_wait3A_865 = arith.constant 5 : i32
    %dma_wait3A_866 = arith.constant 5 : i32
    %dma_wait3A_867 = arith.constant 0 : i32
    %dma_wait3A_868 = arith.constant 0 : i32
    %dma_wait3A_869 = tpu.memref_slice %arg6[%dma_wait3A_865, %dma_wait3A_867, %dma_wait3A_868] : memref<8x64x128xf32, #tpu.memory_space<vmem>> -> memref<1x64x128xf32, #tpu.memory_space<vmem>>
    %dma_wait3A_870 = tpu.memref_squeeze %dma_wait3A_869 : memref<1x64x128xf32, #tpu.memory_space<vmem>> -> memref<64x128xf32, #tpu.memory_space<vmem>>
    %dma_wait3A_871 = arith.constant 0 : i32
    %dma_wait3A_872 = tpu.memref_slice %arg4[%add3A_702, %dma_wait3A_871] : memref<16384x128xf32, #tpu.memory_space<hbm>> -> memref<64x128xf32, #tpu.memory_space<hbm>>
    %dma_wait3A_873 = tpu.memref_slice %arg9[%dma_wait3A_866] : memref<8x!tpu.dma_semaphore, #tpu.memory_space<semaphore_mem>> -> memref<1x!tpu.dma_semaphore, #tpu.memory_space<semaphore_mem>>
    %dma_wait3A_874 = tpu.memref_squeeze %dma_wait3A_873 : memref<1x!tpu.dma_semaphore, #tpu.memory_space<semaphore_mem>> -> memref<!tpu.dma_semaphore, #tpu.memory_space<semaphore_mem>>
    %dma_wait3A_875 = arith.constant 0 : i32
    %dma_wait3A_876 = tpu.memref_slice %arg4[%add3A_702, %dma_wait3A_875] : memref<16384x128xf32, #tpu.memory_space<hbm>> -> memref<64x128xf32, #tpu.memory_space<hbm>>
    %dma_wait3A_877 = arith.constant 0 : i32
    %dma_wait3A_878 = arith.constant 0 : i32
    %dma_wait3A_879 = tpu.memref_slice %arg6[%dma_wait3A_865, %dma_wait3A_877, %dma_wait3A_878] : memref<8x64x128xf32, #tpu.memory_space<vmem>> -> memref<1x64x128xf32, #tpu.memory_space<vmem>>
    %dma_wait3A_880 = tpu.memref_squeeze %dma_wait3A_879 : memref<1x64x128xf32, #tpu.memory_space<vmem>> -> memref<64x128xf32, #tpu.memory_space<vmem>>
    tpu.wait_dma2 semaphore(%dma_wait3A_874 : memref<!tpu.dma_semaphore, #tpu.memory_space<semaphore_mem>>) src(%dma_wait3A_880 : memref<64x128xf32, #tpu.memory_space<vmem>>) dst(%dma_wait3A_876 : memref<64x128xf32, #tpu.memory_space<hbm>>)
    %dma_wait3A_881 = arith.constant 6 : i32
    %dma_wait3A_882 = arith.constant 6 : i32
    %dma_wait3A_883 = arith.constant 0 : i32
    %dma_wait3A_884 = arith.constant 0 : i32
    %dma_wait3A_885 = tpu.memref_slice %arg6[%dma_wait3A_881, %dma_wait3A_883, %dma_wait3A_884] : memref<8x64x128xf32, #tpu.memory_space<vmem>> -> memref<1x64x128xf32, #tpu.memory_space<vmem>>
    %dma_wait3A_886 = tpu.memref_squeeze %dma_wait3A_885 : memref<1x64x128xf32, #tpu.memory_space<vmem>> -> memref<64x128xf32, #tpu.memory_space<vmem>>
    %dma_wait3A_887 = arith.constant 0 : i32
    %dma_wait3A_888 = tpu.memref_slice %arg4[%add3A_735, %dma_wait3A_887] : memref<16384x128xf32, #tpu.memory_space<hbm>> -> memref<64x128xf32, #tpu.memory_space<hbm>>
    %dma_wait3A_889 = tpu.memref_slice %arg9[%dma_wait3A_882] : memref<8x!tpu.dma_semaphore, #tpu.memory_space<semaphore_mem>> -> memref<1x!tpu.dma_semaphore, #tpu.memory_space<semaphore_mem>>
    %dma_wait3A_890 = tpu.memref_squeeze %dma_wait3A_889 : memref<1x!tpu.dma_semaphore, #tpu.memory_space<semaphore_mem>> -> memref<!tpu.dma_semaphore, #tpu.memory_space<semaphore_mem>>
    %dma_wait3A_891 = arith.constant 0 : i32
    %dma_wait3A_892 = tpu.memref_slice %arg4[%add3A_735, %dma_wait3A_891] : memref<16384x128xf32, #tpu.memory_space<hbm>> -> memref<64x128xf32, #tpu.memory_space<hbm>>
    %dma_wait3A_893 = arith.constant 0 : i32
    %dma_wait3A_894 = arith.constant 0 : i32
    %dma_wait3A_895 = tpu.memref_slice %arg6[%dma_wait3A_881, %dma_wait3A_893, %dma_wait3A_894] : memref<8x64x128xf32, #tpu.memory_space<vmem>> -> memref<1x64x128xf32, #tpu.memory_space<vmem>>
    %dma_wait3A_896 = tpu.memref_squeeze %dma_wait3A_895 : memref<1x64x128xf32, #tpu.memory_space<vmem>> -> memref<64x128xf32, #tpu.memory_space<vmem>>
    tpu.wait_dma2 semaphore(%dma_wait3A_890 : memref<!tpu.dma_semaphore, #tpu.memory_space<semaphore_mem>>) src(%dma_wait3A_896 : memref<64x128xf32, #tpu.memory_space<vmem>>) dst(%dma_wait3A_892 : memref<64x128xf32, #tpu.memory_space<hbm>>)
    %dma_wait3A_897 = arith.constant 7 : i32
    %dma_wait3A_898 = arith.constant 7 : i32
    %dma_wait3A_899 = arith.constant 0 : i32
    %dma_wait3A_900 = arith.constant 0 : i32
    %dma_wait3A_901 = tpu.memref_slice %arg6[%dma_wait3A_897, %dma_wait3A_899, %dma_wait3A_900] : memref<8x64x128xf32, #tpu.memory_space<vmem>> -> memref<1x64x128xf32, #tpu.memory_space<vmem>>
    %dma_wait3A_902 = tpu.memref_squeeze %dma_wait3A_901 : memref<1x64x128xf32, #tpu.memory_space<vmem>> -> memref<64x128xf32, #tpu.memory_space<vmem>>
    %dma_wait3A_903 = arith.constant 0 : i32
    %dma_wait3A_904 = tpu.memref_slice %arg4[%add3A_768, %dma_wait3A_903] : memref<16384x128xf32, #tpu.memory_space<hbm>> -> memref<64x128xf32, #tpu.memory_space<hbm>>
    %dma_wait3A_905 = tpu.memref_slice %arg9[%dma_wait3A_898] : memref<8x!tpu.dma_semaphore, #tpu.memory_space<semaphore_mem>> -> memref<1x!tpu.dma_semaphore, #tpu.memory_space<semaphore_mem>>
    %dma_wait3A_906 = tpu.memref_squeeze %dma_wait3A_905 : memref<1x!tpu.dma_semaphore, #tpu.memory_space<semaphore_mem>> -> memref<!tpu.dma_semaphore, #tpu.memory_space<semaphore_mem>>
    %dma_wait3A_907 = arith.constant 0 : i32
    %dma_wait3A_908 = tpu.memref_slice %arg4[%add3A_768, %dma_wait3A_907] : memref<16384x128xf32, #tpu.memory_space<hbm>> -> memref<64x128xf32, #tpu.memory_space<hbm>>
    %dma_wait3A_909 = arith.constant 0 : i32
    %dma_wait3A_910 = arith.constant 0 : i32
    %dma_wait3A_911 = tpu.memref_slice %arg6[%dma_wait3A_897, %dma_wait3A_909, %dma_wait3A_910] : memref<8x64x128xf32, #tpu.memory_space<vmem>> -> memref<1x64x128xf32, #tpu.memory_space<vmem>>
    %dma_wait3A_912 = tpu.memref_squeeze %dma_wait3A_911 : memref<1x64x128xf32, #tpu.memory_space<vmem>> -> memref<64x128xf32, #tpu.memory_space<vmem>>
    tpu.wait_dma2 semaphore(%dma_wait3A_906 : memref<!tpu.dma_semaphore, #tpu.memory_space<semaphore_mem>>) src(%dma_wait3A_912 : memref<64x128xf32, #tpu.memory_space<vmem>>) dst(%dma_wait3A_908 : memref<64x128xf32, #tpu.memory_space<hbm>>)
    return
  }
}

</mosaic_0001>

<sc_bundles>
// kernel: kernel.3.cloned.1.call-start
scs
__scs_entry_jumppad:
0x0: {  	(pc) =	sbr.rel $0x88, $3  }
0x1: {  	(tag) =	ssettag $0x0;
	lr =	simm.s32 $0x1  }
0x2: {  	[smem:$0x3F9F] =	sst lr;
	_ =	strace $0xD0000000  }
0x3: {  	_ = 	snop  }
0x4: {  	_ = 	snop  }
0x5: {  	_ = 	snop  }
0x6: {  	_ = 	snop  }
0x7: {  	_ = 	snop  }
__scs_overlays_trampoline_lowered:
0x8: {  	[smem:$0x3FAE] =	sst s0  }
0x9: {  	[smem:$0x3FAF] =	sst s1  }
0xa: {  	[smem:$0x3FB0] =	sst s2  }
0xb: {  	[smem:$0x3FB1] =	sst s3  }
0xc: {  	[smem:$0x3FB2] =	sst s4  }
0xd: {  	[smem:$0x3FB3] =	sst s5  }
0xe: {  	[smem:$0x3FB4] =	sst s6  }
0xf: {  	[smem:$0x3FB5] =	sst s7  }
0x10: {  	[smem:$0x3FB6] =	sst s8  }
0x11: {  	[smem:$0x3FB7] =	sst s9;
	s0 =	simm.s32 @!p0 $0x0  }
0x12: {  	s1 =	sld [smem:$0x3F9D];
	s0 =	simm.s32 @p0 $0x1  }
0x13: {  	[smem:$0x3FB8] =	sst s0;
	s0 =	simm.s32 @!p1 $0x0  }
0x14: {  	s2 =	sld [smem:$0x3F9C];
	s0 =	simm.s32 @p1 $0x1  }
0x15: {  	[smem:$0x3FB9] =	sst s0;
	s0 =	simm.s32 @!p2 $0x0  }
0x16: {  	s3 =	sld [smem:$0x3FDB];
	s0 =	simm.s32 @p2 $0x1  }
0x17: {  	s4 =	simm.s32 $0x1BF5;
	[smem:$0x3FBB] =	sst s0  }
0x18: {  	s0 =	sld [smem:$0x3F9E];
	_ =	swait.ge [sflag:s4], $0x0  }
0x19: {  	s7 =	sld [smem:$0x3F9F]  }
0x1a: {  	s8 =	sadd.s32 $0xFFFFE003, lr  }
0x1b: {  	s9 =	sadd.s32 $0xFFFFFEF7, lr;
	s5 =	simm.s32 $0xFFFFFFFF;
	p2 =	slt.u32 s8, $0xFFFFF086  }
0x1c: {  	p1 =	slt.u32 s9, $0xF7A;
	s5 =	simm.s32 @!p2 $0x0  }
0x1d: {  	s5 =	simm.s32 @p1 $0x1;
	p0 =	seq.s32 s7, s2  }
0x1e: {  	s7 =	smul.u32 @!p0 $0xF7A, s2;
	p2 =	seq.s32 @!p0 s5, $0x0  }
0x1f: {  	s9 =	smul.u32 $0xF7A, s1;
	s8 =	simm.s32 @!p0 $0x1BF5;
	p2 =	por !p2, p0  }
0x20: {  	[sflag:s8] =	ssyncset.s32 @!p0 $0xFFFFF086;
	s6 =	sadd.s32 @!p0 s3, s7;
	s7 =	simm.s32 @!p0 $0x108  }
0x21: {  	s3 =	sadd.s32 s3, s9;
	s6 =	sadd.s32 @!p0 $0x88, s6;
	s7 =	simm.s32 @p2 $0x1082  }
0x22: {  	[simem:s7], [sflag:s8] =	dma.local @!p0 [hbm:s6], $0xF7A  }
0x23: {  	s9 =	sor.u32 $0xD0000000, s2;
	s6 =	simm.s32 $0x108;
	_ =	swait.ge @!p0 [sflag:s8], $0x0  }
0x24: {  	s3 =	sadd.s32 $0x88, s3;
	s6 =	simm.s32 @!p1 $0x1082;
	[sflag:s4] =	ssyncset.s32 $0xFFFFF086  }
0x25: {  	[simem:s6], [sflag:s4] =	dma.local [hbm:s3], $0xF7A  }
0x26: {  	[smem:$0x3F9F] =	sst s1;
	(tag) =	ssettag s2;
	_ =	strace s9  }
0x27: {  	s1 =	sld [smem:$0x3FAF]  }
0x28: {  	s2 =	sld [smem:$0x3FB0]  }
0x29: {  	s4 =	sld [smem:$0x3FB2]  }
0x2a: {  	p0 =	seq.s32 s5, $0x0;
	s5 =	sld [smem:$0x3FB3]  }
0x2b: {  	s6 =	sld [smem:$0x3FB4]  }
0x2c: {  	s7 =	sld [smem:$0x3FB5]  }
0x2d: {  	s3 =	simm.s32 $0x108;
	s8 =	sld [smem:$0x3FB6]  }
0x2e: {  	s3 =	simm.s32 @!p0 $0x1082;
	s9 =	sld [smem:$0x3FB7]  }
0x2f: {  	lr =	sadd.s32 s0, s3;
	s0 =	sld [smem:$0x3FAE]  }
0x30: {  	s3 =	sld [smem:$0x3FB1]  }
0x31: {  	[smem:$0x3FBA] =	sst s10  }
0x32: {  	s10 =	sld [smem:$0x3FB8];
	_ =	sdelay $0x3  }
0x33: {  	p0 =	seq.s32 s10, $0x1;
	s10 =	sld [smem:$0x3FBA];
	_ =	sdelay $0x3  }
0x34: {  	[smem:$0x3FBA] =	sst s10  }
0x35: {  	s10 =	sld [smem:$0x3FB9];
	_ =	sdelay $0x3  }
0x36: {  	p1 =	seq.s32 s10, $0x1;
	s10 =	sld [smem:$0x3FBA];
	_ =	sdelay $0x3  }
0x37: {  	[smem:$0x3FBA] =	sst s10  }
0x38: {  	s10 =	sld [smem:$0x3FBB]  }
0x39: {  	_ = 	snop;
	(pc) =	sbr.ind lr, $3  }
0x3a: {  	_ = 	snop  }
0x3b: {  	_ = 	snop  }
0x3c: {  	p2 =	seq.s32 s10, $0x1;
	s10 =	sld [smem:$0x3FBA]  }
0x3d: {  	_ =	shalt  }
0x3e: {  	_ =	shalt  }
0x3f: {  	_ =	shalt  }
0x40: {  	_ =	shalt  }
0x41: {  	_ =	shalt  }
0x42: {  	_ =	shalt  }
0x43: {  	_ =	shalt  }
0x44: {  	_ =	shalt  }
0x45: {  	_ =	shalt  }
0x46: {  	_ =	shalt  }
0x47: {  	_ =	shalt  }
0x48: {  	_ =	shalt  }
0x49: {  	_ =	shalt  }
0x4a: {  	_ =	shalt  }
0x4b: {  	_ =	shalt  }
0x4c: {  	_ =	shalt  }
0x4d: {  	_ =	shalt  }
0x4e: {  	_ =	shalt  }
0x4f: {  	_ =	shalt  }
0x50: {  	_ =	shalt  }
0x51: {  	_ =	shalt  }
0x52: {  	_ =	shalt  }
0x53: {  	_ =	shalt  }
0x54: {  	_ =	shalt  }
0x55: {  	_ =	shalt  }
0x56: {  	_ =	shalt  }
0x57: {  	_ =	shalt  }
0x58: {  	_ =	shalt  }
0x59: {  	_ =	shalt  }
0x5a: {  	_ =	shalt  }
0x5b: {  	_ =	shalt  }
0x5c: {  	_ =	shalt  }
0x5d: {  	_ =	shalt  }
0x5e: {  	_ =	shalt  }
0x5f: {  	_ =	shalt  }
0x60: {  	_ =	shalt  }
0x61: {  	_ =	shalt  }
0x62: {  	_ =	shalt  }
0x63: {  	_ =	shalt  }
0x64: {  	_ =	shalt  }
0x65: {  	_ =	shalt  }
0x66: {  	_ =	shalt  }
0x67: {  	_ =	shalt  }
0x68: {  	_ =	shalt  }
0x69: {  	_ =	shalt  }
0x6a: {  	_ =	shalt  }
0x6b: {  	_ =	shalt  }
0x6c: {  	_ =	shalt  }
0x6d: {  	_ =	shalt  }
0x6e: {  	_ =	shalt  }
0x6f: {  	_ =	shalt  }
0x70: {  	_ =	shalt  }
0x71: {  	_ =	shalt  }
0x72: {  	_ =	shalt  }
0x73: {  	_ =	shalt  }
0x74: {  	_ =	shalt  }
0x75: {  	_ =	shalt  }
0x76: {  	_ =	shalt  }
0x77: {  	_ =	shalt  }
0x78: {  	_ =	shalt  }
0x79: {  	_ =	shalt  }
0x7a: {  	_ =	shalt  }
0x7b: {  	_ =	shalt  }
0x7c: {  	_ =	shalt  }
0x7d: {  	_ =	shalt  }
0x7e: {  	_ =	shalt  }
0x7f: {  	_ =	shalt  }
0x80: {  	_ =	shalt  }
0x81: {  	_ =	shalt  }
0x82: {  	_ =	shalt  }
0x83: {  	_ =	shalt  }
0x84: {  	_ =	shalt  }
0x85: {  	_ =	shalt  }
0x86: {  	_ =	shalt  }
0x87: {  	_ =	shalt  }
.Lfunc_end0:
.L_simem_size_0:
called_computation_lowered:
.L_overlay_start_0:
0x88: {  	s2 =	sld [smem:$0x3FD9]  }
0x89: {  	s3 =	sld [smem:$0x3FFE];
	_ =	sdelay $0x1  }
0x8a: {  	s1 =	srdreg.scid  }
0x8b: {  	s0 =	sand.u32 $0x1, s1  }
0x8c: {  	s17 =	sshll.u32 s0, $0xA;
	s2 =	sadd.s32 s3, s2  }
0x8d: {  	s2 =	sadd.s32 s2, s17  }
0x8e: {  	[smem:$0x3FC6] =	sst s2  }
0x8f: {  	_ = 	snop  }
0x90: {  	s2 =	sld [smem:$0x3FC8]  }
0x91: {  	s18 =	sld [smem:$0x3FD0];
	(tm) =	ssettm $0x1  }
0x92: {  	s4 =	sld [smem:$0x3FFB];
	_ =	sdelay $0x3  }
0x93: {  	_ =	strace s4  }
0x94: {  	s4 =	sld [smem:$0x3FFC];
	_ =	sdelay $0x3  }
0x95: {  	_ =	strace s4  }
0x96: {  	s4 =	sld [smem:$0x3FFD];
	_ =	sdelay $0x3  }
0x97: {  	_ =	strace s4  }
0x98: {  	_ =	strace $0x8FFFFFFF  }
0x99: {  	s19 =	sld [smem:$0x3FDB];
	_ =	sdelay $0x1  }
0x9a: {  	s5 =	simm.s32 $_scs_section_size  }
0x9b: {  	s6 =	simm.s32 $_size__tile_overlayer_lowered;
	s7 =	simm.s32 $_tile_overlayer_lowered  }
0x9c: {  	s22 =	simm.s32 $0x1BFF;
	s21 =	sshll.u32 s7, $0x1;
	s4 =	sadd.s32 s5, s19  }
0x9d: {  	s8 =	simm.s32 $0x0;
	s20 =	sshll.u32 s6, $0x1;
	s6 =	sadd.s32 s21, s4  }
0x9e: {  	[timem:s8], [sflag:s22] =	dma.local [hbm:s6], s20  }
0x9f: {  	_ =	swait.ge [sflag:s22], s20  }
0xa0: {  	s5 =	ssub.s32 $0x0, s20;
	[sflag:s22] =	ssyncset.done $0x0  }
0xa1: {  	[sflag:s22] =	ssyncadd.s32 s5;
	_ =	sdelay $0x1  }
0xa2: {  	s23 =	simm.s32 $0x1B8B  }
0xa3: {  	_ =	swait.ge [sflag:s23], $0x1  }
0xa4: {  	[sflag:s23] =	ssyncset.done $0x0  }
0xa5: {  	s25 =	simm.s32 $0x1B8E;
	s24 =	sld [smem:$0x3FFE];
	[sflag:s23] =	ssyncadd.s32 $0xFFFFFFFF  }
0xa6: {  	s26 =	simm.s32 $execute0_lowered;
	[smem:$0x3FD2] =	sst s25  }
0xa7: {  	s6 =	sshll.u32 s26, $0x1;
	_ =	strace $0x80000046;
	[dreg:$0x1] =	wrdreg $0xFFFFFFFF  }
0xa8: {  	s28 =	simm.s32 $_size_execute0_lowered;
	s4 =	sadd.s32 s4, s6;
	[dreg:$0x0] =	wrdreg $0x0  }
0xa9: {  	s6 =	sshll.u32 s28, $0x1;
	[dreg:$0x2] =	wrdreg s4  }
0xaa: {  	[dreg:$0x3] =	wrdreg s6  }
0xab: {  	[dreg:$0x4] =	wrdreg $0xC0  }
0xac: {  	_ =	task [dreg:s8], $0x5FFFF  }
0xad: {  	[dreg:$0x1] =	wrdreg $0xFFFFFFFF  }
0xae: {  	[dreg:$0x0] =	wrdreg $0x60  }
0xaf: {  	[dreg:$0x2] =	wrdreg s2  }
0xb0: {  	[dreg:$0x3] =	wrdreg s24  }
0xb1: {  	[dreg:$0x4] =	wrdreg s18  }
0xb2: {  	[dreg:$0x5] =	wrdreg $0x9  }
0xb3: {  	_ =	task.clear_ibuf [dreg:s8], $0x6FFFF;
	_ =	strace $0x90000046  }
0xb4: {  	s29 =	simm.s32 $0x9;
	_ =	strace $0x80000048  }
0xb5: {  	_ =	swait.ge [sflag:s29], $0x1  }
0xb6: {  	[sflag:s29] =	ssyncadd.s32 $0xFFFFFFFF  }
0xb7: {  	_ =	strace $0x90000048  }
0xb8: {  	_ =	sfence  }
0xb9: {  	s30 =	sld [smem:$0x0];
	_ =	sdelay $0x2  }
0xba: {  	s31 =	sshll.u32 s1, $0xD;
	s1 =	sshrl.u32 s1, $0x2  }
0xbb: {  	s3 =	sand.u32 $0x4000, s31;
	s1 =	sadd.s32 s1, s30  }
0xbc: {  	s0 =	sor.u32 s3, s0;
	s1 =	sshll.u32 s1, $0x11  }
0xbd: {  	s0 =	sor.u32 s1, s0  }
0xbe: {  	s0 =	sadd.s32 $0x8F2B, s0  }
0xbf: {  	[sflag:s0] =	ssyncadd.remote.s32 $0x1  }
0xc0: {  	_ =	sfence.sel $0xFFFF  }
0xc1: {  	[dreg:$0x0] =	wrdreg $0xFFFFFFFF;
	(pc) =	sbr.abs _section_cstart, $3  }
0xc2: {  	[dreg:$0x1] =	wrdreg $0xFFFFFFFF  }
0xc3: {  	_ =	task.clear_ibuf [dreg:s8], $0x2FFFF;
	_ =	strace $0x9FFFFFFF  }
0xc4: {  	(tm) =	ssettm $0x7FFFFFFF  }
0xc5: {  	_ =	shalt  }
tec
execute0_lowered:
.L_overlay_start_1:
0x0: {  	(tag) =	ssettag $0x1  }
0x1: {  	s0 =	srdreg.scid;
	s31 =	stileid.u32  }
0x2: {  	s0 =	sand.u32 $0x1, s0;
	s2 =	sshll.u32 s31, $0x1  }
0x3: {  	s3 =	rddreg [dreg:$0x0];
	s5 =	sor.u32 s0, s2  }
0x4: {  	s1 =	rddreg [dreg:$0x1];
	s6 =	sshll.u32 s5, $0x7  }
0x5: {  	s4 =	rddreg [dreg:$0x2];
	s2 =	simm.s32 $0x0;
	s1 =	sadd.s32 s6, s1  }
0x6: {  	[smem:$0x7FF] =	sst s2;
	s6 =	sadd.s32 $0x400, s1  }
0x7: {  	_ =	strace $0x80000047;
	s14 =	sadd.s32 $0x410, s1;
	[dreg:$0x4] =	wrdreg s6  }
0x8: {  	s7 =	simm.s32 $0x200;
	s15 =	sadd.s32 $0x420, s1;
	[dreg:$0x5] =	wrdreg s14  }
0x9: {  	s28 =	simm.s32 $0x280;
	s16 =	sadd.s32 $0x430, s1;
	[dreg:$0x6] =	wrdreg s15  }
0xa: {  	p0 =	por $0x0, $0x0;
	s17 =	sadd.s32 $0x440, s1;
	[dreg:$0x7] =	wrdreg s16  }
0xb: {  	s29 =	simm.s32 $0xC;
	s18 =	sadd.s32 $0x450, s1;
	[dreg:$0x8] =	wrdreg s17  }
0xc: {  	s5 =	sshll.u32 s5, $0xD;
	s19 =	sadd.s32 $0x460, s1;
	[dreg:$0x9] =	wrdreg s18  }
0xd: {  	s9 =	sadd.s32 s4, s5;
	s1 =	sadd.s32 $0x470, s1;
	[dreg:$0xa] =	wrdreg s19  }
0xe: {  	s13 =	simm.s32 $0xF;
	s20 =	sadd.s32 $0x400, s9;
	[dreg:$0xb] =	wrdreg s1  }
0xf: {  	s8 =	simm.s32 $0x12;
	s21 =	sadd.s32 $0x800, s9;
	[dreg:$0xc] =	wrdreg s20  }
0x10: {  	s0 =	ssub.s32 $0x2, s0;
	s22 =	sadd.s32 $0xC00, s9;
	[dreg:$0xd] =	wrdreg s21  }
0x11: {  	s26 =	sshrl.u32 s0, $0x1;
	s23 =	sadd.s32 $0x1000, s9;
	[dreg:$0xe] =	wrdreg s22  }
0x12: {  	s0 =	ssub.s32 s0, s26;
	s24 =	sadd.s32 $0x1400, s9;
	[dreg:$0xf] =	wrdreg s23  }
0x13: {  	s4 =	simm.s32 $0x4400;
	s25 =	sadd.s32 $0x1800, s9;
	[dreg:$0x10] =	wrdreg s24  }
0x14: {  	s30 =	sadd.s32 $0x1C00, s9;
	s0 =	smax.u32 s0, $0x1;
	[dreg:$0x11] =	wrdreg s25  }
0x15: {  	s26 =	simm.s32 $0x6400;
	[dreg:$0x12] =	wrdreg s30;
	p1 =	sne.s32 s0, $0x1  }
.Ltmp0:
0x16: {  	s24 =	simm.s32 $0x300;
	s21 =	simm.s32 $0x380;
	(pc) =	sbr.rel @!p1 .LBB2_1-.Ltmp0, $4  }
0x17: {  	s25 =	simm.s32 $0x40;
	s19 =	simm.s32 $0x400;
	s15 =	simm.s32 $0x2400  }
0x18: {  	s20 =	simm.s32 $0x8400;
	s14 =	simm.s32 $0xA400;
	s16 =	sadd.s32 $0xFFFFFFFF, s0  }
0x19: {  	s22 =	simm.s32 $0xC400;
	s23 =	simm.s32 $0xD;
	s17 =	simm.s32 $0xE  }
0x1a: {  	s1 =	simm.s32 $0x10;
	s6 =	simm.s32 $0x11;
	s0 =	rddreg [dreg:$0x4]  }
0x1b: {  	[tilespmem:s2], [sflag:$0x1] =	stream.linear.gather [hbm4b:s0+s2], $0x80, $0x38;
	[tilespmem:$0x10400] =	vst v63  }
0x1c: {  	s31 =	rddreg [dreg:$0x5];
	s10 =	simm.s32 $0x80  }
0x1d: {  	[tilespmem:s10], [sflag:$0x2] =	stream.linear.gather [hbm4b:s31+s2], $0x80, $0x38;
	[tilespmem:$0x10400] =	vst v63  }
0x1e: {  	s5 =	rddreg [dreg:$0x6];
	s18 =	simm.s32 $0x100  }
0x1f: {  	[tilespmem:s18], [sflag:$0x3] =	stream.linear.gather [hbm4b:s5+s2], $0x80, $0x38;
	[tilespmem:$0x10400] =	vst v63  }
0x20: {  	s31 =	rddreg [dreg:$0x7];
	s5 =	simm.s32 $0x180  }
0x21: {  	[tilespmem:s5], [sflag:$0x4] =	stream.linear.gather [hbm4b:s31+s2], $0x80, $0x38;
	[tilespmem:$0x10400] =	vst v63  }
0x22: {  	s0 =	rddreg [dreg:$0x8]  }
0x23: {  	[tilespmem:s7], [sflag:$0x5] =	stream.linear.gather [hbm4b:s0+s2], $0x80, $0x38;
	[tilespmem:$0x10400] =	vst v63  }
0x24: {  	s31 =	rddreg [dreg:$0x9]  }
0x25: {  	[tilespmem:s28], [sflag:$0x6] =	stream.linear.gather [hbm4b:s31+s2], $0x80, $0x38;
	[tilespmem:$0x10400] =	vst v63  }
0x26: {  	s0 =	rddreg [dreg:$0xa]  }
0x27: {  	[tilespmem:s24], [sflag:$0x7] =	stream.linear.gather [hbm4b:s0+s2], $0x80, $0x38;
	[tilespmem:$0x10400] =	vst v63  }
0x28: {  	s31 =	rddreg [dreg:$0xb];
	s0 =	simm.s32 $0x1  }
0x29: {  	[tilespmem:s21], [sflag:$0x8] =	stream.linear.gather [hbm4b:s31+s2], $0x80, $0x38;
	[tilespmem:$0x10400] =	vst v63  }
0x2a: {  	_ =	swait.ge [sflag:s0], $0x80  }
0x2b: {  	[sflag:s0] =	ssyncset.done $0x0  }
0x2c: {  	[sflag:s0] =	ssyncadd.s32 $0xFFFFFF80;
	s0 =	simm.s32 $0x2  }
0x2d: {  	[tilespmem:s19], [sflag:$0x9] =	stream.indirect.gather [hbm4b:s3+s25], $0x80, s2, s25, $0xb8;
	[tilespmem:$0x10400] =	vst v63  }
0x2e: {  	_ =	swait.ge [sflag:s0], $0x80  }
0x2f: {  	[sflag:s0] =	ssyncset.done $0x0  }
0x30: {  	[sflag:s0] =	ssyncadd.s32 $0xFFFFFF80  }
0x31: {  	[tilespmem:s15], [sflag:$0xA] =	stream.indirect.gather [hbm4b:s3+s25], $0x80, s10, s25, $0xb8;
	[tilespmem:$0x10400] =	vst v63  }
0x32: {  	s10 =	simm.s32 $0x3  }
0x33: {  	_ =	swait.ge [sflag:s10], $0x80  }
0x34: {  	[sflag:s10] =	ssyncset.done $0x0  }
0x35: {  	[sflag:s10] =	ssyncadd.s32 $0xFFFFFF80  }
0x36: {  	[tilespmem:s4], [sflag:$0xB] =	stream.indirect.gather [hbm4b:s3+s25], $0x80, s18, s25, $0xb8;
	[tilespmem:$0x10400] =	vst v63  }
0x37: {  	s18 =	simm.s32 $0x4  }
0x38: {  	_ =	swait.ge [sflag:s18], $0x80  }
0x39: {  	[sflag:s18] =	ssyncset.done $0x0  }
0x3a: {  	[sflag:s18] =	ssyncadd.s32 $0xFFFFFF80  }
0x3b: {  	[tilespmem:s26], [sflag:$0xC] =	stream.indirect.gather [hbm4b:s3+s25], $0x80, s5, s25, $0xb8;
	[tilespmem:$0x10400] =	vst v63  }
0x3c: {  	s5 =	simm.s32 $0x5  }
0x3d: {  	_ =	swait.ge [sflag:s5], $0x80  }
0x3e: {  	[sflag:s5] =	ssyncset.done $0x0  }
0x3f: {  	[sflag:s5] =	ssyncadd.s32 $0xFFFFFF80  }
0x40: {  	[tilespmem:s20], [sflag:$0xD] =	stream.indirect.gather [hbm4b:s3+s25], $0x80, s7, s25, $0xb8;
	[tilespmem:$0x10400] =	vst v63  }
0x41: {  	s7 =	simm.s32 $0x6  }
0x42: {  	_ =	swait.ge [sflag:s7], $0x80  }
0x43: {  	[sflag:s7] =	ssyncset.done $0x0  }
0x44: {  	s10 =	simm.s32 $0x7;
	[sflag:s7] =	ssyncadd.s32 $0xFFFFFF80  }
0x45: {  	[tilespmem:s14], [sflag:$0xE] =	stream.indirect.gather [hbm4b:s3+s25], $0x80, s28, s25, $0xb8;
	[tilespmem:$0x10400] =	vst v63  }
0x46: {  	_ =	swait.ge [sflag:s10], $0x80  }
0x47: {  	[sflag:s10] =	ssyncset.done $0x0  }
0x48: {  	s18 =	simm.s32 $0x8;
	[sflag:s10] =	ssyncadd.s32 $0xFFFFFF80  }
0x49: {  	[tilespmem:s22], [sflag:$0xF] =	stream.indirect.gather [hbm4b:s3+s25], $0x80, s24, s25, $0xb8;
	[tilespmem:$0x10400] =	vst v63  }
0x4a: {  	_ =	swait.ge [sflag:s18], $0x80  }
0x4b: {  	[sflag:s18] =	ssyncset.done $0x0  }
0x4c: {  	s7 =	simm.s32 $0xE400;
	[sflag:s18] =	ssyncadd.s32 $0xFFFFFF80  }
0x4d: {  	[tilespmem:s7], [sflag:$0x10] =	stream.indirect.gather [hbm4b:s3+s25], $0x80, s21, s25, $0xb8;
	[tilespmem:$0x10400] =	vst v63  }
0x4e: {  	s21 =	simm.s32 $0x9  }
0x4f: {  	_ =	swait.ge [sflag:s21], $0x2000  }
0x50: {  	[sflag:s21] =	ssyncset.done $0x0  }
0x51: {  	s24 =	simm.s32 $0xA;
	[sflag:s21] =	ssyncadd.s32 $0xFFFFE000  }
0x52: {  	[hbm4b:s9+s2] =	stream.linear.scatter [tilespmem:s19], [sflag:$0x11], $0x2000, $0x38;
	[tilespmem:$0x10400] =	vst v63  }
0x53: {  	_ =	swait.ge [sflag:s24], $0x2000  }
0x54: {  	[sflag:s24] =	ssyncset.done $0x0  }
0x55: {  	s10 =	simm.s32 $0xB;
	s28 =	rddreg [dreg:$0xc];
	[sflag:s24] =	ssyncadd.s32 $0xFFFFE000  }
0x56: {  	[hbm4b:s28+s2] =	stream.linear.scatter [tilespmem:s15], [sflag:$0x12], $0x2000, $0x38;
	[tilespmem:$0x10400] =	vst v63  }
0x57: {  	_ =	swait.ge [sflag:s10], $0x2000  }
0x58: {  	[sflag:s10] =	ssyncset.done $0x0  }
0x59: {  	s15 =	rddreg [dreg:$0xd];
	[sflag:s10] =	ssyncadd.s32 $0xFFFFE000  }
0x5a: {  	[hbm4b:s15+s2] =	stream.linear.scatter [tilespmem:s4], [sflag:$0x13], $0x2000, $0x38;
	[tilespmem:$0x10400] =	vst v63  }
0x5b: {  	_ =	swait.ge [sflag:s29], $0x2000  }
0x5c: {  	[sflag:s29] =	ssyncset.done $0x0  }
0x5d: {  	s18 =	rddreg [dreg:$0xe];
	[sflag:s29] =	ssyncadd.s32 $0xFFFFE000  }
0x5e: {  	[hbm4b:s18+s2] =	stream.linear.scatter [tilespmem:s26], [sflag:$0x14], $0x2000, $0x38;
	[tilespmem:$0x10400] =	vst v63  }
0x5f: {  	_ =	swait.ge [sflag:s23], $0x2000  }
0x60: {  	[sflag:s23] =	ssyncset.done $0x0  }
0x61: {  	s19 =	rddreg [dreg:$0xf];
	[sflag:s23] =	ssyncadd.s32 $0xFFFFE000  }
0x62: {  	[hbm4b:s19+s2] =	stream.linear.scatter [tilespmem:s20], [sflag:$0x15], $0x2000, $0x38;
	[tilespmem:$0x10400] =	vst v63  }
0x63: {  	_ =	swait.ge [sflag:s17], $0x2000  }
0x64: {  	[sflag:s17] =	ssyncset.done $0x0  }
0x65: {  	s21 =	rddreg [dreg:$0x10];
	[sflag:s17] =	ssyncadd.s32 $0xFFFFE000  }
0x66: {  	[hbm4b:s21+s2] =	stream.linear.scatter [tilespmem:s14], [sflag:$0x16], $0x2000, $0x38;
	[tilespmem:$0x10400] =	vst v63  }
0x67: {  	_ =	swait.ge [sflag:s13], $0x2000  }
0x68: {  	[sflag:s13] =	ssyncset.done $0x0  }
0x69: {  	s23 =	rddreg [dreg:$0x11];
	[sflag:s13] =	ssyncadd.s32 $0xFFFFE000  }
0x6a: {  	[hbm4b:s23+s2] =	stream.linear.scatter [tilespmem:s22], [sflag:$0x17], $0x2000, $0x38;
	[tilespmem:$0x10400] =	vst v63  }
0x6b: {  	_ =	swait.ge [sflag:s1], $0x2000  }
0x6c: {  	[sflag:s1] =	ssyncset.done $0x0  }
0x6d: {  	s24 =	rddreg [dreg:$0x12];
	[sflag:s1] =	ssyncadd.s32 $0xFFFFE000  }
0x6e: {  	[hbm4b:s24+s2] =	stream.linear.scatter [tilespmem:s7], [sflag:$0x18], $0x2000, $0x38;
	[tilespmem:$0x10400] =	vst v63  }
0x6f: {  	_ =	swait.ge [sflag:s6], $0x2000  }
0x70: {  	[sflag:s6] =	ssyncset.done $0x0  }
0x71: {  	[sflag:s6] =	ssyncadd.s32 $0xFFFFE000  }
0x72: {  	_ =	swait.ge [sflag:s8], $0x2000  }
0x73: {  	[sflag:s8] =	ssyncset.done $0x0  }
0x74: {  	s11 =	simm.s32 $0x13;
	[sflag:s8] =	ssyncadd.s32 $0xFFFFE000  }
0x75: {  	_ =	swait.ge [sflag:s11], $0x2000  }
0x76: {  	[sflag:s11] =	ssyncset.done $0x0  }
0x77: {  	s12 =	simm.s32 $0x14;
	[sflag:s11] =	ssyncadd.s32 $0xFFFFE000  }
0x78: {  	_ =	swait.ge [sflag:s12], $0x2000  }
0x79: {  	[sflag:s12] =	ssyncset.done $0x0  }
0x7a: {  	s30 =	simm.s32 $0x15;
	[sflag:s12] =	ssyncadd.s32 $0xFFFFE000  }
0x7b: {  	_ =	swait.ge [sflag:s30], $0x2000  }
0x7c: {  	p1 =	sne.s32 s16, $0x1;
	[sflag:s30] =	ssyncset.done $0x0  }
0x7d: {  	p0 =	por $0x1, $0x1;
	s26 =	simm.s32 $0x16;
	[sflag:s30] =	ssyncadd.s32 $0xFFFFE000  }
0x7e: {  	s31 =	sadd.s32 $0xFFFFFFFF, s16;
	s28 =	simm.s32 $0x17;
	_ =	swait.ge [sflag:s26], $0x2000  }
0x7f: {  	s10 =	simm.s32 $0x15;
	s29 =	simm.s32 $0xC;
	[sflag:s26] =	ssyncset.done $0x0  }
0x80: {  	s20 =	simm.s32 $0x12;
	s17 =	simm.s32 $0xE;
	[sflag:s26] =	ssyncadd.s32 $0xFFFFE000  }
.Ltmp1:
0x81: {  	s14 =	simm.s32 $0x13;
	_ =	swait.ge [sflag:s28], $0x2000;
	(pc) =	sbr.rel @!p1 .LBB2_7-.Ltmp1, $4  }
0x82: {  	s13 =	simm.s32 $0xF;
	s23 =	simm.s32 $0xD;
	[sflag:s28] =	ssyncset.done $0x0  }
0x83: {  	s1 =	simm.s32 $0x10;
	s30 =	simm.s32 $0x18;
	[sflag:s28] =	ssyncadd.s32 $0xFFFFE000  }
0x84: {  	s8 =	simm.s32 $0x16;
	s11 =	simm.s32 $0x14;
	_ =	swait.ge [sflag:s30], $0x2000  }
0x85: {  	s26 =	simm.s32 $0x11;
	s0 =	rddreg [dreg:$0x4];
	[sflag:s30] =	ssyncset.done $0x0  }
0x86: {  	s7 =	simm.s32 $0x18;
	s6 =	simm.s32 $0x200;
	s5 =	simm.s32 $0x300  }
0x87: {  	s28 =	simm.s32 $0x380;
	s24 =	simm.s32 $0x400;
	s19 =	simm.s32 $0x2400  }
0x88: {  	s30 =	simm.s32 $0x4400;
	s15 =	simm.s32 $0x6400;
	s21 =	simm.s32 $0x8400  }
.LBB2_4:
0x89: {  	[sflag:s7] =	ssyncadd.s32 $0xFFFFE000  }
0x8a: {  	[tilespmem:s2], [sflag:$0x1] =	stream.linear.gather [hbm4b:s0+s2], $0x80, $0x38;
	[tilespmem:$0x10400] =	vst v63  }
0x8b: {  	s4 =	rddreg [dreg:$0x5];
	s16 =	simm.s32 $0x80  }
0x8c: {  	[tilespmem:s16], [sflag:$0x2] =	stream.linear.gather [hbm4b:s4+s2], $0x80, $0x38;
	[tilespmem:$0x10400] =	vst v63  }
0x8d: {  	s18 =	rddreg [dreg:$0x6];
	s4 =	simm.s32 $0x100  }
0x8e: {  	[tilespmem:s4], [sflag:$0x3] =	stream.linear.gather [hbm4b:s18+s2], $0x80, $0x38;
	[tilespmem:$0x10400] =	vst v63  }
0x8f: {  	s12 =	smov.u32 s9;
	s9 =	rddreg [dreg:$0x7];
	s18 =	simm.s32 $0x180  }
0x90: {  	[tilespmem:s18], [sflag:$0x4] =	stream.linear.gather [hbm4b:s9+s2], $0x80, $0x38;
	[tilespmem:$0x10400] =	vst v63  }
0x91: {  	s22 =	rddreg [dreg:$0x8]  }
0x92: {  	[tilespmem:s6], [sflag:$0x5] =	stream.linear.gather [hbm4b:s22+s2], $0x80, $0x38;
	[tilespmem:$0x10400] =	vst v63  }
0x93: {  	s9 =	rddreg [dreg:$0x9];
	s22 =	simm.s32 $0x280  }
0x94: {  	[tilespmem:s22], [sflag:$0x6] =	stream.linear.gather [hbm4b:s9+s2], $0x80, $0x38;
	[tilespmem:$0x10400] =	vst v63  }
0x95: {  	s0 =	rddreg [dreg:$0xa]  }
0x96: {  	[tilespmem:s5], [sflag:$0x7] =	stream.linear.gather [hbm4b:s0+s2], $0x80, $0x38;
	[tilespmem:$0x10400] =	vst v63  }
0x97: {  	s9 =	rddreg [dreg:$0xb];
	s0 =	simm.s32 $0x1  }
0x98: {  	[tilespmem:s28], [sflag:$0x8] =	stream.linear.gather [hbm4b:s9+s2], $0x80, $0x38;
	[tilespmem:$0x10400] =	vst v63  }
0x99: {  	_ =	swait.ge [sflag:s0], $0x80  }
0x9a: {  	[sflag:s0] =	ssyncset.done $0x0  }
0x9b: {  	[sflag:s0] =	ssyncadd.s32 $0xFFFFFF80;
	s0 =	simm.s32 $0x2  }
0x9c: {  	[tilespmem:s24], [sflag:$0x9] =	stream.indirect.gather [hbm4b:s3+s25], $0x80, s2, s25, $0xb8;
	[tilespmem:$0x10400] =	vst v63  }
0x9d: {  	_ =	swait.ge [sflag:s0], $0x80  }
0x9e: {  	[sflag:s0] =	ssyncset.done $0x0  }
0x9f: {  	[sflag:s0] =	ssyncadd.s32 $0xFFFFFF80  }
0xa0: {  	[tilespmem:s19], [sflag:$0xA] =	stream.indirect.gather [hbm4b:s3+s25], $0x80, s16, s25, $0xb8;
	[tilespmem:$0x10400] =	vst v63  }
0xa1: {  	s16 =	simm.s32 $0x3  }
0xa2: {  	_ =	swait.ge [sflag:s16], $0x80  }
0xa3: {  	[sflag:s16] =	ssyncset.done $0x0  }
0xa4: {  	[sflag:s16] =	ssyncadd.s32 $0xFFFFFF80  }
0xa5: {  	[tilespmem:s30], [sflag:$0xB] =	stream.indirect.gather [hbm4b:s3+s25], $0x80, s4, s25, $0xb8;
	[tilespmem:$0x10400] =	vst v63  }
0xa6: {  	s4 =	simm.s32 $0x4  }
0xa7: {  	_ =	swait.ge [sflag:s4], $0x80  }
0xa8: {  	[sflag:s4] =	ssyncset.done $0x0  }
0xa9: {  	s16 =	simm.s32 $0x5;
	[sflag:s4] =	ssyncadd.s32 $0xFFFFFF80  }
0xaa: {  	[tilespmem:s15], [sflag:$0xC] =	stream.indirect.gather [hbm4b:s3+s25], $0x80, s18, s25, $0xb8;
	[tilespmem:$0x10400] =	vst v63  }
0xab: {  	_ =	swait.ge [sflag:s16], $0x80  }
0xac: {  	[sflag:s16] =	ssyncset.done $0x0  }
0xad: {  	s18 =	simm.s32 $0x6;
	[sflag:s16] =	ssyncadd.s32 $0xFFFFFF80  }
0xae: {  	[tilespmem:s21], [sflag:$0xD] =	stream.indirect.gather [hbm4b:s3+s25], $0x80, s6, s25, $0xb8;
	[tilespmem:$0x10400] =	vst v63  }
0xaf: {  	_ =	swait.ge [sflag:s18], $0x80  }
0xb0: {  	[sflag:s18] =	ssyncset.done $0x0  }
0xb1: {  	s4 =	simm.s32 $0x7;
	[sflag:s18] =	ssyncadd.s32 $0xFFFFFF80;
	s18 =	simm.s32 $0xA400  }
0xb2: {  	[tilespmem:s18], [sflag:$0xE] =	stream.indirect.gather [hbm4b:s3+s25], $0x80, s22, s25, $0xb8;
	[tilespmem:$0x10400] =	vst v63  }
0xb3: {  	_ =	swait.ge [sflag:s4], $0x80  }
0xb4: {  	[sflag:s4] =	ssyncset.done $0x0  }
0xb5: {  	s16 =	simm.s32 $0x8;
	s22 =	simm.s32 $0xC400;
	[sflag:s4] =	ssyncadd.s32 $0xFFFFFF80  }
0xb6: {  	[tilespmem:s22], [sflag:$0xF] =	stream.indirect.gather [hbm4b:s3+s25], $0x80, s5, s25, $0xb8;
	[tilespmem:$0x10400] =	vst v63  }
0xb7: {  	_ =	swait.ge [sflag:s16], $0x80  }
0xb8: {  	[sflag:s16] =	ssyncset.done $0x0  }
0xb9: {  	s4 =	simm.s32 $0x9;
	[sflag:s16] =	ssyncadd.s32 $0xFFFFFF80;
	s16 =	simm.s32 $0xE400  }
0xba: {  	[tilespmem:s16], [sflag:$0x10] =	stream.indirect.gather [hbm4b:s3+s25], $0x80, s28, s25, $0xb8;
	[tilespmem:$0x10400] =	vst v63  }
0xbb: {  	_ =	swait.ge [sflag:s4], $0x2000  }
0xbc: {  	[sflag:s4] =	ssyncset.done $0x0  }
0xbd: {  	[sflag:s4] =	ssyncadd.s32 $0xFFFFE000;
	s4 =	simm.s32 $0xA  }
0xbe: {  	[hbm4b:s12+s2] =	stream.linear.scatter [tilespmem:s24], [sflag:$0x11], $0x2000, $0x38;
	[tilespmem:$0x10400] =	vst v63  }
0xbf: {  	_ =	swait.ge [sflag:s4], $0x2000  }
0xc0: {  	[sflag:s4] =	ssyncset.done $0x0  }
0xc1: {  	s0 =	rddreg [dreg:$0xc];
	[sflag:s4] =	ssyncadd.s32 $0xFFFFE000;
	s4 =	simm.s32 $0xB  }
0xc2: {  	[hbm4b:s0+s2] =	stream.linear.scatter [tilespmem:s19], [sflag:$0x12], $0x2000, $0x38;
	[tilespmem:$0x10400] =	vst v63  }
0xc3: {  	_ =	swait.ge [sflag:s4], $0x2000  }
0xc4: {  	[sflag:s4] =	ssyncset.done $0x0  }
0xc5: {  	s0 =	rddreg [dreg:$0xd];
	[sflag:s4] =	ssyncadd.s32 $0xFFFFE000  }
0xc6: {  	[hbm4b:s0+s2] =	stream.linear.scatter [tilespmem:s30], [sflag:$0x13], $0x2000, $0x38;
	[tilespmem:$0x10400] =	vst v63  }
0xc7: {  	_ =	swait.ge [sflag:s29], $0x2000  }
0xc8: {  	[sflag:s29] =	ssyncset.done $0x0  }
0xc9: {  	s4 =	rddreg [dreg:$0xe];
	[sflag:s29] =	ssyncadd.s32 $0xFFFFE000  }
0xca: {  	[hbm4b:s4+s2] =	stream.linear.scatter [tilespmem:s15], [sflag:$0x14], $0x2000, $0x38;
	[tilespmem:$0x10400] =	vst v63  }
0xcb: {  	_ =	swait.ge [sflag:s23], $0x2000  }
0xcc: {  	[sflag:s23] =	ssyncset.done $0x0  }
0xcd: {  	s4 =	rddreg [dreg:$0xf];
	[sflag:s23] =	ssyncadd.s32 $0xFFFFE000  }
0xce: {  	[hbm4b:s4+s2] =	stream.linear.scatter [tilespmem:s21], [sflag:$0x15], $0x2000, $0x38;
	[tilespmem:$0x10400] =	vst v63  }
0xcf: {  	_ =	swait.ge [sflag:s17], $0x2000  }
0xd0: {  	[sflag:s17] =	ssyncset.done $0x0  }
0xd1: {  	s4 =	rddreg [dreg:$0x10];
	[sflag:s17] =	ssyncadd.s32 $0xFFFFE000  }
0xd2: {  	[hbm4b:s4+s2] =	stream.linear.scatter [tilespmem:s18], [sflag:$0x16], $0x2000, $0x38;
	[tilespmem:$0x10400] =	vst v63  }
0xd3: {  	_ =	swait.ge [sflag:s13], $0x2000  }
0xd4: {  	[sflag:s13] =	ssyncset.done $0x0  }
0xd5: {  	s4 =	rddreg [dreg:$0x11];
	[sflag:s13] =	ssyncadd.s32 $0xFFFFE000  }
0xd6: {  	[hbm4b:s4+s2] =	stream.linear.scatter [tilespmem:s22], [sflag:$0x17], $0x2000, $0x38;
	[tilespmem:$0x10400] =	vst v63  }
0xd7: {  	_ =	swait.ge [sflag:s1], $0x2000  }
0xd8: {  	[sflag:s1] =	ssyncset.done $0x0  }
0xd9: {  	s18 =	rddreg [dreg:$0x12];
	[sflag:s1] =	ssyncadd.s32 $0xFFFFE000  }
0xda: {  	[hbm4b:s18+s2] =	stream.linear.scatter [tilespmem:s16], [sflag:$0x18], $0x2000, $0x38;
	[tilespmem:$0x10400] =	vst v63  }
0xdb: {  	_ =	swait.ge [sflag:s26], $0x2000  }
0xdc: {  	[sflag:s26] =	ssyncset.done $0x0  }
0xdd: {  	[sflag:s26] =	ssyncadd.s32 $0xFFFFE000  }
0xde: {  	_ =	swait.ge [sflag:s20], $0x2000  }
0xdf: {  	[sflag:s20] =	ssyncset.done $0x0  }
0xe0: {  	[sflag:s20] =	ssyncadd.s32 $0xFFFFE000  }
0xe1: {  	_ =	swait.ge [sflag:s14], $0x2000  }
0xe2: {  	[sflag:s14] =	ssyncset.done $0x0  }
0xe3: {  	[sflag:s14] =	ssyncadd.s32 $0xFFFFE000  }
0xe4: {  	_ =	swait.ge [sflag:s11], $0x2000  }
0xe5: {  	[sflag:s11] =	ssyncset.done $0x0  }
0xe6: {  	[sflag:s11] =	ssyncadd.s32 $0xFFFFE000  }
0xe7: {  	_ =	swait.ge [sflag:s10], $0x2000  }
0xe8: {  	[sflag:s10] =	ssyncset.done $0x0  }
0xe9: {  	[sflag:s10] =	ssyncadd.s32 $0xFFFFE000  }
0xea: {  	_ =	swait.ge [sflag:s8], $0x2000  }
0xeb: {  	[sflag:s8] =	ssyncset.done $0x0  }
0xec: {  	p1 =	sne.s32 s31, $0x1;
	s22 =	simm.s32 $0x17;
	[sflag:s8] =	ssyncadd.s32 $0xFFFFE000  }
.Ltmp2:
0xed: {  	_ =	swait.ge [sflag:s22], $0x2000;
	(pc) =	sbr.rel @p1 .LBB2_4-.Ltmp2, $4  }
0xee: {  	[sflag:s22] =	ssyncset.done $0x0  }
0xef: {  	[sflag:s22] =	ssyncadd.s32 $0xFFFFE000  }
0xf0: {  	s31 =	sadd.s32 $0xFFFFFFFF, s31;
	_ =	swait.ge [sflag:s7], $0x2000  }
0xf1: {  	s9 =	smov.u32 s12;
	s0 =	rddreg [dreg:$0x4];
	[sflag:s7] =	ssyncset.done $0x0  }
0xf2: {  	s31 =	stileid.u32  }
0xf3: {  	s14 =	simm.s32 $0xA400;
	s22 =	simm.s32 $0xC400;
	s8 =	simm.s32 $0x12  }
0xf4: {  	s20 =	simm.s32 $0x8400;
	s6 =	simm.s32 $0x11;
	s26 =	simm.s32 $0x6400  }
0xf5: {  	s1 =	simm.s32 $0x10;
	s4 =	simm.s32 $0x4400;
	s13 =	simm.s32 $0xF  }
0xf6: {  	s15 =	simm.s32 $0x2400;
	s17 =	simm.s32 $0xE;
	s19 =	simm.s32 $0x400  }
0xf7: {  	s21 =	simm.s32 $0x380;
	s23 =	simm.s32 $0xD;
	s24 =	simm.s32 $0x300  }
0xf8: {  	s28 =	simm.s32 $0x280;
	s29 =	simm.s32 $0xC;
	s7 =	simm.s32 $0x200  }
.LBB2_6:
0xf9: {  	s16 =	simm.s32 $0x18  }
0xfa: {  	[sflag:s16] =	ssyncadd.s32 @p0 $0xFFFFE000  }
0xfb: {  	[tilespmem:s2], [sflag:$0x1] =	stream.linear.gather [hbm4b:s0+s2], $0x80, $0x38;
	[tilespmem:$0x10400] =	vst v63  }
0xfc: {  	s9 =	rddreg [dreg:$0x5];
	s11 =	simm.s32 $0x80  }
0xfd: {  	[tilespmem:s11], [sflag:$0x2] =	stream.linear.gather [hbm4b:s9+s2], $0x80, $0x38;
	[tilespmem:$0x10400] =	vst v63  }
0xfe: {  	s18 =	rddreg [dreg:$0x6];
	s10 =	simm.s32 $0x100  }
0xff: {  	[tilespmem:s10], [sflag:$0x3] =	stream.linear.gather [hbm4b:s18+s2], $0x80, $0x38;
	[tilespmem:$0x10400] =	vst v63  }
0x100: {  	s30 =	rddreg [dreg:$0x7];
	s5 =	simm.s32 $0x180  }
0x101: {  	[tilespmem:s5], [sflag:$0x4] =	stream.linear.gather [hbm4b:s30+s2], $0x80, $0x38;
	[tilespmem:$0x10400] =	vst v63  }
0x102: {  	s18 =	rddreg [dreg:$0x8]  }
0x103: {  	[tilespmem:s7], [sflag:$0x5] =	stream.linear.gather [hbm4b:s18+s2], $0x80, $0x38;
	[tilespmem:$0x10400] =	vst v63  }
0x104: {  	s30 =	rddreg [dreg:$0x9]  }
0x105: {  	[tilespmem:s28], [sflag:$0x6] =	stream.linear.gather [hbm4b:s30+s2], $0x80, $0x38;
	[tilespmem:$0x10400] =	vst v63  }
0x106: {  	s18 =	rddreg [dreg:$0xa]  }
0x107: {  	[tilespmem:s24], [sflag:$0x7] =	stream.linear.gather [hbm4b:s18+s2], $0x80, $0x38;
	[tilespmem:$0x10400] =	vst v63  }
0x108: {  	s30 =	rddreg [dreg:$0xb];
	s18 =	simm.s32 $0x1  }
0x109: {  	[tilespmem:s21], [sflag:$0x8] =	stream.linear.gather [hbm4b:s30+s2], $0x80, $0x38;
	[tilespmem:$0x10400] =	vst v63  }
0x10a: {  	_ =	swait.ge [sflag:s18], $0x80  }
0x10b: {  	[sflag:s18] =	ssyncset.done $0x0  }
0x10c: {  	s30 =	simm.s32 $0x2;
	[sflag:s18] =	ssyncadd.s32 $0xFFFFFF80  }
0x10d: {  	[tilespmem:s19], [sflag:$0x9] =	stream.indirect.gather [hbm4b:s3+s25], $0x80, s2, s25, $0xb8;
	[tilespmem:$0x10400] =	vst v63  }
0x10e: {  	_ =	swait.ge [sflag:s30], $0x80  }
0x10f: {  	[sflag:s30] =	ssyncset.done $0x0  }
0x110: {  	s9 =	simm.s32 $0x3;
	[sflag:s30] =	ssyncadd.s32 $0xFFFFFF80  }
0x111: {  	[tilespmem:s15], [sflag:$0xA] =	stream.indirect.gather [hbm4b:s3+s25], $0x80, s11, s25, $0xb8;
	[tilespmem:$0x10400] =	vst v63  }
0x112: {  	_ =	swait.ge [sflag:s9], $0x80  }
0x113: {  	[sflag:s9] =	ssyncset.done $0x0  }
0x114: {  	[sflag:s9] =	ssyncadd.s32 $0xFFFFFF80  }
0x115: {  	[tilespmem:s4], [sflag:$0xB] =	stream.indirect.gather [hbm4b:s3+s25], $0x80, s10, s25, $0xb8;
	[tilespmem:$0x10400] =	vst v63  }
0x116: {  	s10 =	simm.s32 $0x4  }
0x117: {  	_ =	swait.ge [sflag:s10], $0x80  }
0x118: {  	[sflag:s10] =	ssyncset.done $0x0  }
0x119: {  	s11 =	simm.s32 $0x5;
	[sflag:s10] =	ssyncadd.s32 $0xFFFFFF80  }
0x11a: {  	[tilespmem:s26], [sflag:$0xC] =	stream.indirect.gather [hbm4b:s3+s25], $0x80, s5, s25, $0xb8;
	[tilespmem:$0x10400] =	vst v63  }
0x11b: {  	_ =	swait.ge [sflag:s11], $0x80  }
0x11c: {  	[sflag:s11] =	ssyncset.done $0x0  }
0x11d: {  	s18 =	simm.s32 $0x6;
	[sflag:s11] =	ssyncadd.s32 $0xFFFFFF80  }
0x11e: {  	[tilespmem:s20], [sflag:$0xD] =	stream.indirect.gather [hbm4b:s3+s25], $0x80, s7, s25, $0xb8;
	[tilespmem:$0x10400] =	vst v63  }
0x11f: {  	_ =	swait.ge [sflag:s18], $0x80  }
0x120: {  	[sflag:s18] =	ssyncset.done $0x0  }
0x121: {  	s30 =	simm.s32 $0x7;
	[sflag:s18] =	ssyncadd.s32 $0xFFFFFF80  }
0x122: {  	[tilespmem:s14], [sflag:$0xE] =	stream.indirect.gather [hbm4b:s3+s25], $0x80, s28, s25, $0xb8;
	[tilespmem:$0x10400] =	vst v63  }
0x123: {  	_ =	swait.ge [sflag:s30], $0x80  }
0x124: {  	[sflag:s30] =	ssyncset.done $0x0  }
0x125: {  	s5 =	simm.s32 $0x8;
	[sflag:s30] =	ssyncadd.s32 $0xFFFFFF80  }
0x126: {  	[tilespmem:s22], [sflag:$0xF] =	stream.indirect.gather [hbm4b:s3+s25], $0x80, s24, s25, $0xb8;
	[tilespmem:$0x10400] =	vst v63  }
0x127: {  	_ =	swait.ge [sflag:s5], $0x80  }
0x128: {  	[sflag:s5] =	ssyncset.done $0x0  }
0x129: {  	s9 =	simm.s32 $0x9;
	s7 =	simm.s32 $0xE400;
	[sflag:s5] =	ssyncadd.s32 $0xFFFFFF80  }
0x12a: {  	[tilespmem:s7], [sflag:$0x10] =	stream.indirect.gather [hbm4b:s3+s25], $0x80, s21, s25, $0xb8;
	[tilespmem:$0x10400] =	vst v63  }
0x12b: {  	_ =	swait.ge [sflag:s9], $0x2000  }
0x12c: {  	[sflag:s9] =	ssyncset.done $0x0  }
0x12d: {  	s10 =	simm.s32 $0xA;
	[sflag:s9] =	ssyncadd.s32 $0xFFFFE000  }
0x12e: {  	[hbm4b:s12+s2] =	stream.linear.scatter [tilespmem:s19], [sflag:$0x11], $0x2000, $0x38;
	[tilespmem:$0x10400] =	vst v63  }
0x12f: {  	_ =	swait.ge [sflag:s10], $0x2000  }
0x130: {  	[sflag:s10] =	ssyncset.done $0x0  }
0x131: {  	s12 =	simm.s32 $0xB;
	s11 =	rddreg [dreg:$0xc];
	[sflag:s10] =	ssyncadd.s32 $0xFFFFE000  }
0x132: {  	[hbm4b:s11+s2] =	stream.linear.scatter [tilespmem:s15], [sflag:$0x12], $0x2000, $0x38;
	[tilespmem:$0x10400] =	vst v63  }
0x133: {  	_ =	swait.ge [sflag:s12], $0x2000  }
0x134: {  	[sflag:s12] =	ssyncset.done $0x0  }
0x135: {  	s15 =	rddreg [dreg:$0xd];
	[sflag:s12] =	ssyncadd.s32 $0xFFFFE000  }
0x136: {  	[hbm4b:s15+s2] =	stream.linear.scatter [tilespmem:s4], [sflag:$0x13], $0x2000, $0x38;
	[tilespmem:$0x10400] =	vst v63  }
0x137: {  	_ =	swait.ge [sflag:s29], $0x2000  }
0x138: {  	[sflag:s29] =	ssyncset.done $0x0  }
0x139: {  	s18 =	rddreg [dreg:$0xe];
	[sflag:s29] =	ssyncadd.s32 $0xFFFFE000  }
0x13a: {  	[hbm4b:s18+s2] =	stream.linear.scatter [tilespmem:s26], [sflag:$0x14], $0x2000, $0x38;
	[tilespmem:$0x10400] =	vst v63  }
0x13b: {  	_ =	swait.ge [sflag:s23], $0x2000  }
0x13c: {  	[sflag:s23] =	ssyncset.done $0x0  }
0x13d: {  	s19 =	rddreg [dreg:$0xf];
	[sflag:s23] =	ssyncadd.s32 $0xFFFFE000  }
0x13e: {  	[hbm4b:s19+s2] =	stream.linear.scatter [tilespmem:s20], [sflag:$0x15], $0x2000, $0x38;
	[tilespmem:$0x10400] =	vst v63  }
0x13f: {  	_ =	swait.ge [sflag:s17], $0x2000  }
0x140: {  	[sflag:s17] =	ssyncset.done $0x0  }
0x141: {  	s21 =	rddreg [dreg:$0x10];
	[sflag:s17] =	ssyncadd.s32 $0xFFFFE000  }
0x142: {  	[hbm4b:s21+s2] =	stream.linear.scatter [tilespmem:s14], [sflag:$0x16], $0x2000, $0x38;
	[tilespmem:$0x10400] =	vst v63  }
0x143: {  	_ =	swait.ge [sflag:s13], $0x2000  }
0x144: {  	[sflag:s13] =	ssyncset.done $0x0  }
0x145: {  	s23 =	rddreg [dreg:$0x11];
	[sflag:s13] =	ssyncadd.s32 $0xFFFFE000  }
0x146: {  	[hbm4b:s23+s2] =	stream.linear.scatter [tilespmem:s22], [sflag:$0x17], $0x2000, $0x38;
	[tilespmem:$0x10400] =	vst v63  }
0x147: {  	_ =	swait.ge [sflag:s1], $0x2000  }
0x148: {  	[sflag:s1] =	ssyncset.done $0x0  }
0x149: {  	s24 =	rddreg [dreg:$0x12];
	[sflag:s1] =	ssyncadd.s32 $0xFFFFE000  }
0x14a: {  	[hbm4b:s24+s2] =	stream.linear.scatter [tilespmem:s7], [sflag:$0x18], $0x2000, $0x38;
	[tilespmem:$0x10400] =	vst v63  }
0x14b: {  	_ =	swait.ge [sflag:s6], $0x2000  }
0x14c: {  	[sflag:s6] =	ssyncset.done $0x0  }
0x14d: {  	[sflag:s6] =	ssyncadd.s32 $0xFFFFE000  }
0x14e: {  	_ =	swait.ge [sflag:s8], $0x2000  }
0x14f: {  	[sflag:s8] =	ssyncset.done $0x0  }
0x150: {  	s25 =	simm.s32 $0x13;
	[sflag:s8] =	ssyncadd.s32 $0xFFFFE000  }
0x151: {  	_ =	swait.ge [sflag:s25], $0x2000  }
0x152: {  	[sflag:s25] =	ssyncset.done $0x0  }
0x153: {  	s26 =	simm.s32 $0x14;
	[sflag:s25] =	ssyncadd.s32 $0xFFFFE000  }
0x154: {  	_ =	swait.ge [sflag:s26], $0x2000  }
0x155: {  	[sflag:s26] =	ssyncset.done $0x0  }
0x156: {  	s28 =	simm.s32 $0x15;
	[sflag:s26] =	ssyncadd.s32 $0xFFFFE000  }
0x157: {  	_ =	swait.ge [sflag:s28], $0x2000  }
0x158: {  	[sflag:s28] =	ssyncset.done $0x0  }
0x159: {  	s29 =	simm.s32 $0x16;
	[sflag:s28] =	ssyncadd.s32 $0xFFFFE000  }
0x15a: {  	_ =	swait.ge [sflag:s29], $0x2000  }
0x15b: {  	[sflag:s29] =	ssyncset.done $0x0  }
0x15c: {  	s30 =	simm.s32 $0x17;
	[sflag:s29] =	ssyncadd.s32 $0xFFFFE000  }
0x15d: {  	_ =	swait.ge [sflag:s30], $0x2000  }
0x15e: {  	[sflag:s30] =	ssyncset.done $0x0  }
0x15f: {  	[sflag:s30] =	ssyncadd.s32 $0xFFFFE000  }
0x160: {  	_ =	swait.ge [sflag:s16], $0x2000  }
0x161: {  	[sflag:s16] =	ssyncset.done $0x0  }
0x162: {  	[sflag:s16] =	ssyncadd.s32 $0xFFFFE000  }
0x163: {  	_ =	sfence.sel $0x180000  }
0x164: {  	[bflag:$0x0] =	sbarrier.arrive $0xFFFF  }
0x165: {  	_ =	strace $0x90000047  }
0x166: {  	[bflag:$0x2] =	sbarrier.arrive $0xFFFF  }
0x167: {  	p0 =	sne.s32 s31, $0x0;
	s0 =	rddreg [dreg:$0x3]  }
0x168: {  	s0 =	sadd.s32 @!p0 $0x100000, s0  }
0x169: {  	[sflag:s0] =	ssyncadd.tile.s32 @!p0 $0x1;
	_ =	shalt  }
.LBB2_1:
.Ltmp3:
0x16a: {  	(pc) =	sbr.rel .LBB2_6-.Ltmp3, $2  }
0x16b: {  	_ =	sdelay $0x2  }
0x16c: {  	s12 =	smov.u32 s9  }
.LBB2_7:
0x16d: {  	s12 =	smov.u32 s9;
	s31 =	stileid.u32;
	s14 =	simm.s32 $0xA400  }
0x16e: {  	s22 =	simm.s32 $0xC400;
	s8 =	simm.s32 $0x12;
	s20 =	simm.s32 $0x8400  }
.Ltmp4:
0x16f: {  	s6 =	simm.s32 $0x11;
	s26 =	simm.s32 $0x6400;
	(pc) =	sbr.rel .LBB2_6-.Ltmp4, $4  }
0x170: {  	s1 =	simm.s32 $0x10;
	s4 =	simm.s32 $0x4400;
	s13 =	simm.s32 $0xF  }
0x171: {  	s15 =	simm.s32 $0x2400;
	s17 =	simm.s32 $0xE;
	s19 =	simm.s32 $0x400  }
0x172: {  	s21 =	simm.s32 $0x380;
	s23 =	simm.s32 $0xD;
	s24 =	simm.s32 $0x300  }
0x173: {  	s28 =	simm.s32 $0x280;
	s29 =	simm.s32 $0xC;
	s7 =	simm.s32 $0x200  }
.Lfunc_end2:
_tile_overlayer_lowered:
.L_overlay_start_2:
0x174: {  	(tag) =	ssettag $0x2  }
0x175: {  	s0 =	rddreg [dreg:$0x0];
	s2 =	stileid.u32  }
0x176: {  	s1 =	rddreg [dreg:$0x1];
	p0 =	sne.s32 s2, $0x0  }
0x177: {  	s3 =	rddreg [dreg:$0x2];
	[bflag:$0x3] =	sbarrier.arrive $0xFFFF;
	s2 =	simm.s32 @!p0 $0x1C19  }
0x178: {  	[timem:s3], [sflag:s2] =	dma.local @!p0 [hbm:s0], s1  }
0x179: {  	s0 =	simm.s32 @!p0 $0x19  }
0x17a: {  	_ =	swait.ge @!p0 [sflag:s0], s1  }
0x17b: {  	s1 =	ssub.s32 @!p0 $0x0, s1;
	[sflag:s0] =	ssyncset.done @!p0 $0x0  }
0x17c: {  	[sflag:s0] =	ssyncadd.s32 @!p0 s1  }
0x17d: {  	[bflag:$0x3] =	sbarrier.arrive $0xFFFF  }
0x17e: {  	_ =	shalt  }

</sc_bundles>
